<compile_context>
chip_gen: v7x
topology: tpu7x:2x2x1
jax: 0.10.2.dev20260603
libtpu: 0.0.44.dev20260713+nightly
codegen_flags: <defaults>
</compile_context>

<pallas_src>
import functools

import jax
import jax.numpy as jnp
from jax import lax
from jax.experimental import pallas as pl
from jax.experimental.pallas import tpu as pltpu
from jax.experimental.pallas import tpu_sc as plsc

_B, _S, _H = 1, 2048, 768
_E, _K, _I = 8, 2, 1536
_ALPHA = 1.702
_LIMIT = 7.0
_T = _B * _S
_TB = 256
_NSLOT = _K * _T + _E * _TB
_NP = _K * _T
_NBLK = _NSLOT // _TB + _E
_MAXJ = _T // _TB
_EPC = _E // 2

_NC, _NS = 2, 16
_NW = _NC * _NS
_PW = _NP // _NW


def _router_kernel(x_ref, rw_ref, rb_ref, ltri_ref,
                   scores_ref, w0_ref, w1_ref, d0_ref, d1_ref, meta_ref):
    logits = jnp.dot(x_ref[...], rw_ref[...].astype(jnp.bfloat16),
                     preferred_element_type=jnp.float32) + rb_ref[...]
    iota = lax.broadcasted_iota(jnp.int32, (_T, _E), 1)
    m0 = jnp.max(logits, axis=1, keepdims=True)
    i0 = jnp.min(jnp.where(logits == m0, iota, _E), axis=1, keepdims=True)
    oh0 = (iota == i0).astype(jnp.float32)
    l1 = jnp.where(iota == i0, -jnp.inf, logits)
    m1 = jnp.max(l1, axis=1, keepdims=True)
    i1 = jnp.min(jnp.where(l1 == m1, iota, _E), axis=1, keepdims=True)
    oh1 = (iota == i1).astype(jnp.float32)
    w0 = jax.nn.sigmoid(m0 - m1)
    w1 = jax.nn.sigmoid(m1 - m0)
    scores_ref[...] = w0 * oh0 + w1 * oh1
    w0_ref[...] = w0
    w1_ref[...] = w1

    mask = (oh0 + oh1).astype(jnp.bfloat16)
    cb = ltri_ref.shape[0]
    cum = jnp.zeros((1, _E), jnp.float32)
    parts = []
    for b in range(_T // cb):
        pb = jnp.dot(ltri_ref[...], mask[b * cb:(b + 1) * cb],
                     preferred_element_type=jnp.float32)
        parts.append(pb + cum)
        cum = cum + pb[cb - 1:cb, :]
    cinc = jnp.concatenate(parts, axis=0)
    totals = cum
    padded = jnp.floor((totals + (_TB - 1)) * (1.0 / _TB)) * _TB
    off = jnp.zeros((1, _E), jnp.float32)
    for s in range(1, _E):
        off = off + jnp.concatenate(
            [jnp.zeros((1, s), jnp.float32), padded[:, :_E - s]], axis=1)
    c0 = jnp.sum(oh0 * cinc, axis=1, keepdims=True)
    c1 = jnp.sum(oh1 * cinc, axis=1, keepdims=True)
    o0 = jnp.sum(oh0 * off, axis=1, keepdims=True)
    o1 = jnp.sum(oh1 * off, axis=1, keepdims=True)
    d0_ref[...] = (o0 + c0 - 1.0).astype(jnp.int32)
    d1_ref[...] = (o1 + c1 - 1.0).astype(jnp.int32)
    meta_ref[...] = jnp.concatenate([off, totals], axis=1).astype(jnp.int32)


def _router_call(x, rw, rb, ltri):
    return pl.pallas_call(
        _router_kernel,
        out_shape=[
            jax.ShapeDtypeStruct((_T, _E), jnp.float32),
            jax.ShapeDtypeStruct((_T, 1), jnp.float32),
            jax.ShapeDtypeStruct((_T, 1), jnp.float32),
            jax.ShapeDtypeStruct((_T, 1), jnp.int32),
            jax.ShapeDtypeStruct((_T, 1), jnp.int32),
            jax.ShapeDtypeStruct((1, 16), jnp.int32),
        ],
    )(x, rw, rb, ltri)


@functools.cache
def _sc_kernels():
    mesh = plsc.VectorSubcoreMesh(core_axis_name="c", subcore_axis_name="s")

    @functools.partial(
        pl.kernel, mesh=mesh,
        out_type=jax.ShapeDtypeStruct((_NBLK * _TB, _H), jnp.float32),
        scratch_types=[
            pltpu.VMEM((_PW,), jnp.int32),
            pltpu.VMEM((_PW, _H), jnp.float32),
            pltpu.SemaphoreType.DMA,
        ],
    )
    def dispatch(x_hbm, dest_hbm, xs_hbm, idx_v, rows_v, sem):
        wid = lax.axis_index("s") * _NC + lax.axis_index("c")
        base = wid * _PW
        tok_base = lax.rem(base, _T)
        pltpu.sync_copy(x_hbm.at[pl.ds(tok_base, _PW)], rows_v)
        pltpu.sync_copy(dest_hbm.at[pl.ds(base, _PW)], idx_v)
        pltpu.async_copy(rows_v, xs_hbm.at[idx_v], sem).wait()

    @functools.partial(
        pl.kernel, mesh=mesh,
        out_type=jax.ShapeDtypeStruct((_NP, _H), jnp.float32),
        scratch_types=[
            pltpu.VMEM((_PW,), jnp.int32),
            pltpu.VMEM((_PW, _H), jnp.float32),
            pltpu.SemaphoreType.DMA,
        ],
    )
    def combine_gather(ys_hbm, dest_hbm, g_hbm, idx_v, rows_v, sem):
        wid = lax.axis_index("s") * _NC + lax.axis_index("c")
        base = wid * _PW
        pltpu.sync_copy(dest_hbm.at[pl.ds(base, _PW)], idx_v)
        pltpu.async_copy(ys_hbm.at[idx_v], rows_v, sem).wait()
        pltpu.sync_copy(rows_v, g_hbm.at[pl.ds(base, _PW)])

    return dispatch, combine_gather


def _sc_dispatch(x, dest):
    return _sc_kernels()[0](x, dest)


def _sc_combine_gather(ys, dest):
    return _sc_kernels()[1](ys, dest)


def _trips(meta_ref, eg):
    cnt = meta_ref[8 + eg]
    return (cnt + (_TB - 1)) // _TB


def _xs_index(i, e, j, meta_ref):
    eg = i * _EPC + e
    trip = _trips(meta_ref, eg)
    blk0 = meta_ref[eg] // _TB
    inact = jnp.where(trip > 0, blk0 + trip - 1, _NSLOT // _TB + eg)
    return jnp.where(j < trip, blk0 + j, inact), 0


def _w_index(i, e, j, meta_ref):
    return i * _EPC + e, 0, 0


def _expert_kernel(meta_ref, xs_ref, gup_ref, gub_ref, dwn_ref, bd_ref,
                   ys_ref, wgs_ref, wds_ref, semg, semd):
    i = pl.program_id(0)
    e = pl.program_id(1)
    j = pl.program_id(2)
    eg = i * _EPC + e

    @pl.when((e == 0) & (j == 0))
    def _():
        for ee in range(_EPC):
            src = i * _EPC + ee
            pltpu.make_async_copy(
                gup_ref.at[src], wgs_ref.at[ee], semg.at[ee]).start()
            pltpu.make_async_copy(
                dwn_ref.at[src], wds_ref.at[ee], semd.at[ee]).start()

    @pl.when(j == 0)
    def _():
        pltpu.make_async_copy(gup_ref.at[eg], wgs_ref.at[e], semg.at[e]).wait()
        pltpu.make_async_copy(dwn_ref.at[eg], wds_ref.at[e], semd.at[e]).wait()

    @pl.when(j < _trips(meta_ref, eg))
    def _():
        xt = xs_ref[...].astype(jnp.bfloat16)
        gu = jnp.dot(xt, wgs_ref[e], preferred_element_type=jnp.float32)
        gu = jnp.minimum(gu + gub_ref[0], _LIMIT)
        gate = gu[:, :_I]
        up = jnp.maximum(gu[:, _I:], -_LIMIT)
        glu = gate * jax.nn.sigmoid(gate * _ALPHA)
        act = ((up + 1.0) * glu).astype(jnp.bfloat16)
        ys_ref[...] = jnp.dot(act, wds_ref[e],
                              preferred_element_type=jnp.float32) + bd_ref[0]


def _expert_call(meta, xs, gup, gub, dwn, bd):
    grid_spec = pltpu.PrefetchScalarGridSpec(
        num_scalar_prefetch=1,
        grid=(2, _EPC, _MAXJ),
        in_specs=[
            pl.BlockSpec((_TB, _H), _xs_index),
            pl.BlockSpec(memory_space=pltpu.MemorySpace.HBM),
            pl.BlockSpec((1, 1, 2 * _I), _w_index),
            pl.BlockSpec(memory_space=pltpu.MemorySpace.HBM),
            pl.BlockSpec((1, 1, _H), _w_index),
        ],
        out_specs=pl.BlockSpec((_TB, _H), _xs_index),
        scratch_shapes=[
            pltpu.VMEM((_EPC, _H, 2 * _I), jnp.bfloat16),
            pltpu.VMEM((_EPC, _I, _H), jnp.bfloat16),
            pltpu.SemaphoreType.DMA((_EPC,)),
            pltpu.SemaphoreType.DMA((_EPC,)),
        ],
    )
    return pl.pallas_call(
        _expert_kernel,
        grid_spec=grid_spec,
        out_shape=jax.ShapeDtypeStruct((_NBLK * _TB, _H), jnp.float32),
        compiler_params=pltpu.CompilerParams(
            dimension_semantics=("parallel", "arbitrary", "arbitrary"),
        ),
    )(meta, xs, gup, gub, dwn, bd)


def _combine_kernel(g0_ref, g1_ref, w0_ref, w1_ref, out_ref):
    out_ref[...] = w0_ref[...] * g0_ref[...] + w1_ref[...] * g1_ref[...]


def _combine_call(g, w0, w1):
    nt = 4
    tile = _T // nt
    return pl.pallas_call(
        _combine_kernel,
        grid=(nt,),
        in_specs=[
            pl.BlockSpec((tile, _H), lambda i: (i, 0)),
            pl.BlockSpec((tile, _H), lambda i: (i + nt, 0)),
            pl.BlockSpec((tile, 1), lambda i: (i, 0)),
            pl.BlockSpec((tile, 1), lambda i: (i, 0)),
        ],
        out_specs=pl.BlockSpec((tile, _H), lambda i: (i, 0)),
        out_shape=jax.ShapeDtypeStruct((_T, _H), jnp.float32),
        compiler_params=pltpu.CompilerParams(
            dimension_semantics=("parallel",),
        ),
    )(g, g, w0, w1)


def kernel(hidden_states, router_weight, router_bias, gate_up_proj,
           gate_up_proj_bias, down_proj, down_proj_bias):
    x = hidden_states.reshape(_T, _H)
    rb = router_bias.reshape(1, _E)
    ltri = jnp.tril(jnp.ones((256, 256), jnp.bfloat16))
    scores, w0, w1, d0, d1, meta = _router_call(
        x.astype(jnp.bfloat16), router_weight, rb, ltri)
    dest = jnp.concatenate([d0.reshape(_T), d1.reshape(_T)])
    xs = _sc_dispatch(x, dest)
    gup = gate_up_proj.astype(jnp.bfloat16)
    dwn = down_proj.astype(jnp.bfloat16)
    gub = gate_up_proj_bias.reshape(_E, 1, 2 * _I)
    dnb = down_proj_bias.reshape(_E, 1, _H)
    ys = _expert_call(meta.reshape(16), xs, gup, gub, dwn, dnb)
    g = _sc_combine_gather(ys, dest)
    out = _combine_call(g, w0, w1)
    return out.reshape(_B, _S, _H), scores

# --- scband reference (transcript-rebuilt; emitter-appended) ---
"""Pipeline reference for scband-a2a-sparse-stacked-mlp-72310069396105 (READ-ONLY COPY).

The authoritative reference and input builder live on the scoring server;
editing this copy changes nothing except your own understanding.
"""

import jax, jax.numpy as jnp
import numpy as np

B, S, H = 1, 2048, 768
E, K, I = 8, 2, 1536
ALPHA = 1.702
LIMIT = 7.0


def setup_inputs(seed: int = 0) -> dict:
    key = jax.random.key(seed)
    ks = jax.random.split(key, 7)
    return {
        "hidden_states": jax.random.normal(ks[0], (B, S, H), dtype=jnp.float32),
        "router_weight": jax.random.normal(ks[1], (H, E), dtype=jnp.float32) * 0.02,
        "router_bias": jax.random.normal(ks[2], (E,), dtype=jnp.float32) * 0.02,
        "gate_up_proj": jax.random.normal(ks[3], (E, H, 2 * I), dtype=jnp.float32) * 0.02,
        "gate_up_proj_bias": jax.random.normal(ks[4], (E, 2 * I), dtype=jnp.float32) * 0.02,
        "down_proj": jax.random.normal(ks[5], (E, I, H), dtype=jnp.float32) * 0.02,
        "down_proj_bias": jax.random.normal(ks[6], (E, H), dtype=jnp.float32) * 0.02,
    }


def reference(hidden_states, router_weight, router_bias, gate_up_proj, gate_up_proj_bias, down_proj, down_proj_bias):
    Bq, Sq, Hq = hidden_states.shape
    T = Bq * Sq
    x = hidden_states.reshape(T, Hq)
    # Router: linear -> top-k -> softmax over top-k, scattered back into [T, E]
    logits = x @ router_weight + router_bias
    top_vals, top_idx = jax.lax.top_k(logits, K)
    top_w = jax.nn.softmax(top_vals, axis=-1)
    router_scores = jnp.zeros((T, E), dtype=x.dtype).at[jnp.arange(T)[:, None], top_idx].set(top_w)
    # num_devices = 1: all_to_all_dispatch is identity, metadata = expert indices
    idx = top_idx.reshape(Bq, Sq, K)
    # sparsity mask [B, S, E] (scatter of ones at selected experts; top-k indices are distinct)
    sparsity = jax.nn.one_hot(idx, E, dtype=x.dtype).sum(axis=-2)
    # sparse_matmul (input B sparse): per-token-per-expert output, masked by sparsity
    gu = jnp.einsum('bsh,ehf->bsef', hidden_states, gate_up_proj)
    gu = gu * sparsity[..., None]
    gu = gu + gate_up_proj_bias
    gu = jnp.minimum(gu, LIMIT)
    gate = gu[..., :I]
    up = jnp.maximum(gu[..., I:], -LIMIT)
    glu = gate * jax.nn.sigmoid(gate * ALPHA)
    act = (up + 1.0) * glu
    # sparse_matmul (input A sparse) for down projection
    down = jnp.einsum('bsei,eih->bseh', act, down_proj)
    down = down * sparsity[..., None]
    down = down + down_proj_bias
    # all_to_all_combine (identity routing, num_devices=1): gather selected experts per token
    comb = jnp.take_along_axis(down, idx[..., None], axis=2)  # [B, S, K, H]
    # topk_weights = gather(router_scores, router_indices) == top_w
    w = top_w.reshape(Bq, Sq, K)
    out = (comb * w[..., None]).sum(axis=2)
    return out, router_scores

if __name__ == "__main__":
    import jax
    _d = setup_inputs()
    print(jax.jit(kernel)(*tuple(_d.values())))

</pallas_src>

<mosaic_0001>
#map = affine_map<(d0, d1) -> (0, 0)>
#map1 = affine_map<(d0, d1) -> (0)>
module attributes {stable_mosaic.version = 14 : i64} {
  func.func @dispatch(%arg0: i32, %arg1: i32, %arg2: memref<2048x768xf32, #tpu.memory_space<hbm>>, %arg3: memref<4096xi32, #tpu.memory_space<hbm>>, %arg4: memref<8192x768xf32, #tpu.memory_space<hbm>>, %arg5: memref<128xi32, #tpu.memory_space<vmem>>, %arg6: memref<128x768xf32, #tpu.memory_space<vmem>>, %arg7: memref<!tpu.dma_semaphore, #tpu.memory_space<semaphore_mem>>) attributes {dimension_semantics = [#tpu.dimension_semantics<core_parallel>, #tpu.dimension_semantics<subcore_parallel>], iteration_bounds = array<i64: 2, 16>, scalar_prefetch = 0 : i64, scratch_operands = 3 : i64, tpu.core_type = #tpu.core_type<sc_vector_subcore>, window_params = [{transform_indices = #map}, {transform_indices = #map1}, {transform_indices = #map}]} {
    %mul3A = arith.constant 2 : i32
    %mul3A_0 = arith.muli %arg1, %mul3A : i32
    %add3A = arith.addi %mul3A_0, %arg0 : i32
    %mul3A_1 = arith.constant 128 : i32
    %mul3A_2 = arith.muli %add3A, %mul3A_1 : i32
    %rem3A = arith.constant 2048 : i32
    %rem3A_3 = arith.remsi %mul3A_2, %rem3A : i32
    "tpu.region"() ({
      %run_scoped3A = tpu.sem_alloc : memref<!tpu.dma_semaphore, #tpu.memory_space<semaphore_mem>>
      %dma_start3A_8 = arith.constant 0 : i32
      %dma_start3A_9 = tpu.memref_slice %arg2[%rem3A_3, %dma_start3A_8] : memref<2048x768xf32, #tpu.memory_space<hbm>> -> memref<128x768xf32, #tpu.memory_space<hbm>>
      %dma_start3A_10 = arith.constant 0 : i32
      %dma_start3A_11 = tpu.memref_slice %arg2[%rem3A_3, %dma_start3A_10] : memref<2048x768xf32, #tpu.memory_space<hbm>> -> memref<128x768xf32, #tpu.memory_space<hbm>>
      tpu.enqueue_dma source(%dma_start3A_11 : memref<128x768xf32, #tpu.memory_space<hbm>>) target(%arg6 : memref<128x768xf32, #tpu.memory_space<vmem>>) target_semaphore(%run_scoped3A : memref<!tpu.dma_semaphore, #tpu.memory_space<semaphore_mem>>)
      %dma_wait3A_12 = arith.constant 0 : i32
      %dma_wait3A_13 = tpu.memref_slice %arg2[%rem3A_3, %dma_wait3A_12] : memref<2048x768xf32, #tpu.memory_space<hbm>> -> memref<128x768xf32, #tpu.memory_space<hbm>>
      %dma_wait3A_14 = arith.constant 0 : i32
      %dma_wait3A_15 = tpu.memref_slice %arg2[%rem3A_3, %dma_wait3A_14] : memref<2048x768xf32, #tpu.memory_space<hbm>> -> memref<128x768xf32, #tpu.memory_space<hbm>>
      tpu.wait_dma2 semaphore(%run_scoped3A : memref<!tpu.dma_semaphore, #tpu.memory_space<semaphore_mem>>) src(%dma_wait3A_15 : memref<128x768xf32, #tpu.memory_space<hbm>>) dst(%arg6 : memref<128x768xf32, #tpu.memory_space<vmem>>)
      tpu.yield
    }) : () -> ()
    "tpu.region"() ({
      %run_scoped3A = tpu.sem_alloc : memref<!tpu.dma_semaphore, #tpu.memory_space<semaphore_mem>>
      %dma_start3A_8 = tpu.memref_slice %arg3[%mul3A_2] : memref<4096xi32, #tpu.memory_space<hbm>> -> memref<128xi32, #tpu.memory_space<hbm>>
      %dma_start3A_9 = tpu.memref_slice %arg3[%mul3A_2] : memref<4096xi32, #tpu.memory_space<hbm>> -> memref<128xi32, #tpu.memory_space<hbm>>
      tpu.enqueue_dma source(%dma_start3A_9 : memref<128xi32, #tpu.memory_space<hbm>>) target(%arg5 : memref<128xi32, #tpu.memory_space<vmem>>) target_semaphore(%run_scoped3A : memref<!tpu.dma_semaphore, #tpu.memory_space<semaphore_mem>>)
      %dma_wait3A_10 = tpu.memref_slice %arg3[%mul3A_2] : memref<4096xi32, #tpu.memory_space<hbm>> -> memref<128xi32, #tpu.memory_space<hbm>>
      %dma_wait3A_11 = tpu.memref_slice %arg3[%mul3A_2] : memref<4096xi32, #tpu.memory_space<hbm>> -> memref<128xi32, #tpu.memory_space<hbm>>
      tpu.wait_dma2 semaphore(%run_scoped3A : memref<!tpu.dma_semaphore, #tpu.memory_space<semaphore_mem>>) src(%dma_wait3A_11 : memref<128xi32, #tpu.memory_space<hbm>>) dst(%arg5 : memref<128xi32, #tpu.memory_space<vmem>>)
      tpu.yield
    }) : () -> ()
    %dma_start3A = arith.constant 0 : i32
    %dma_start3A_4 = arith.constant 0 : i32
    %dma_start3A_5 = tpu.memref_slice %arg4[%dma_start3A, %dma_start3A_4] : memref<8192x768xf32, #tpu.memory_space<hbm>> -> memref<8192x768xf32, #tpu.memory_space<hbm>>
    tpu.enqueue_indirect_dma source(%arg6 : memref<128x768xf32, #tpu.memory_space<vmem>>) target(%dma_start3A_5 : memref<8192x768xf32, #tpu.memory_space<hbm>>) offsets(%arg5 : memref<128xi32, #tpu.memory_space<vmem>>) semaphore(%arg7 : memref<!tpu.dma_semaphore, #tpu.memory_space<semaphore_mem>>)
    %dma_wait3A = arith.constant 0 : i32
    %dma_wait3A_6 = arith.constant 0 : i32
    %dma_wait3A_7 = tpu.memref_slice %arg4[%dma_wait3A, %dma_wait3A_6] : memref<8192x768xf32, #tpu.memory_space<hbm>> -> memref<8192x768xf32, #tpu.memory_space<hbm>>
    tpu.wait_indirect_dma semaphore(%arg7 : memref<!tpu.dma_semaphore, #tpu.memory_space<semaphore_mem>>) src(%arg6 : memref<128x768xf32, #tpu.memory_space<vmem>>) dst(%dma_wait3A_7 : memref<8192x768xf32, #tpu.memory_space<hbm>>)
    return
  }
}

#map = affine_map<(d0, d1) -> (0, 0)>
#map1 = affine_map<(d0, d1) -> (0)>
module attributes {stable_mosaic.version = 14 : i64} {
  func.func @combine_gather(%arg0: i32, %arg1: i32, %arg2: memref<8192x768xf32, #tpu.memory_space<hbm>>, %arg3: memref<4096xi32, #tpu.memory_space<hbm>>, %arg4: memref<4096x768xf32, #tpu.memory_space<hbm>>, %arg5: memref<128xi32, #tpu.memory_space<vmem>>, %arg6: memref<128x768xf32, #tpu.memory_space<vmem>>, %arg7: memref<!tpu.dma_semaphore, #tpu.memory_space<semaphore_mem>>) attributes {dimension_semantics = [#tpu.dimension_semantics<core_parallel>, #tpu.dimension_semantics<subcore_parallel>], iteration_bounds = array<i64: 2, 16>, scalar_prefetch = 0 : i64, scratch_operands = 3 : i64, tpu.core_type = #tpu.core_type<sc_vector_subcore>, window_params = [{transform_indices = #map}, {transform_indices = #map1}, {transform_indices = #map}]} {
    %mul3A = arith.constant 2 : i32
    %mul3A_0 = arith.muli %arg1, %mul3A : i32
    %add3A = arith.addi %mul3A_0, %arg0 : i32
    %mul3A_1 = arith.constant 128 : i32
    %mul3A_2 = arith.muli %add3A, %mul3A_1 : i32
    "tpu.region"() ({
      %run_scoped3A = tpu.sem_alloc : memref<!tpu.dma_semaphore, #tpu.memory_space<semaphore_mem>>
      %dma_start3A_7 = tpu.memref_slice %arg3[%mul3A_2] : memref<4096xi32, #tpu.memory_space<hbm>> -> memref<128xi32, #tpu.memory_space<hbm>>
      %dma_start3A_8 = tpu.memref_slice %arg3[%mul3A_2] : memref<4096xi32, #tpu.memory_space<hbm>> -> memref<128xi32, #tpu.memory_space<hbm>>
      tpu.enqueue_dma source(%dma_start3A_8 : memref<128xi32, #tpu.memory_space<hbm>>) target(%arg5 : memref<128xi32, #tpu.memory_space<vmem>>) target_semaphore(%run_scoped3A : memref<!tpu.dma_semaphore, #tpu.memory_space<semaphore_mem>>)
      %dma_wait3A_9 = tpu.memref_slice %arg3[%mul3A_2] : memref<4096xi32, #tpu.memory_space<hbm>> -> memref<128xi32, #tpu.memory_space<hbm>>
      %dma_wait3A_10 = tpu.memref_slice %arg3[%mul3A_2] : memref<4096xi32, #tpu.memory_space<hbm>> -> memref<128xi32, #tpu.memory_space<hbm>>
      tpu.wait_dma2 semaphore(%run_scoped3A : memref<!tpu.dma_semaphore, #tpu.memory_space<semaphore_mem>>) src(%dma_wait3A_10 : memref<128xi32, #tpu.memory_space<hbm>>) dst(%arg5 : memref<128xi32, #tpu.memory_space<vmem>>)
      tpu.yield
    }) : () -> ()
    %dma_start3A = arith.constant 0 : i32
    %dma_start3A_3 = arith.constant 0 : i32
    %dma_start3A_4 = tpu.memref_slice %arg2[%dma_start3A, %dma_start3A_3] : memref<8192x768xf32, #tpu.memory_space<hbm>> -> memref<8192x768xf32, #tpu.memory_space<hbm>>
    tpu.enqueue_indirect_dma source(%dma_start3A_4 : memref<8192x768xf32, #tpu.memory_space<hbm>>) target(%arg6 : memref<128x768xf32, #tpu.memory_space<vmem>>) offsets(%arg5 : memref<128xi32, #tpu.memory_space<vmem>>) semaphore(%arg7 : memref<!tpu.dma_semaphore, #tpu.memory_space<semaphore_mem>>)
    %dma_wait3A = arith.constant 0 : i32
    %dma_wait3A_5 = arith.constant 0 : i32
    %dma_wait3A_6 = tpu.memref_slice %arg2[%dma_wait3A, %dma_wait3A_5] : memref<8192x768xf32, #tpu.memory_space<hbm>> -> memref<8192x768xf32, #tpu.memory_space<hbm>>
    tpu.wait_indirect_dma semaphore(%arg7 : memref<!tpu.dma_semaphore, #tpu.memory_space<semaphore_mem>>) src(%dma_wait3A_6 : memref<8192x768xf32, #tpu.memory_space<hbm>>) dst(%arg6 : memref<128x768xf32, #tpu.memory_space<vmem>>)
    "tpu.region"() ({
      %run_scoped3A = tpu.sem_alloc : memref<!tpu.dma_semaphore, #tpu.memory_space<semaphore_mem>>
      %dma_start3A_7 = arith.constant 0 : i32
      %dma_start3A_8 = tpu.memref_slice %arg4[%mul3A_2, %dma_start3A_7] : memref<4096x768xf32, #tpu.memory_space<hbm>> -> memref<128x768xf32, #tpu.memory_space<hbm>>
      %dma_start3A_9 = arith.constant 0 : i32
      %dma_start3A_10 = tpu.memref_slice %arg4[%mul3A_2, %dma_start3A_9] : memref<4096x768xf32, #tpu.memory_space<hbm>> -> memref<128x768xf32, #tpu.memory_space<hbm>>
      tpu.enqueue_dma source(%arg6 : memref<128x768xf32, #tpu.memory_space<vmem>>) target(%dma_start3A_10 : memref<128x768xf32, #tpu.memory_space<hbm>>) target_semaphore(%run_scoped3A : memref<!tpu.dma_semaphore, #tpu.memory_space<semaphore_mem>>)
      %dma_wait3A_11 = arith.constant 0 : i32
      %dma_wait3A_12 = tpu.memref_slice %arg4[%mul3A_2, %dma_wait3A_11] : memref<4096x768xf32, #tpu.memory_space<hbm>> -> memref<128x768xf32, #tpu.memory_space<hbm>>
      %dma_wait3A_13 = arith.constant 0 : i32
      %dma_wait3A_14 = tpu.memref_slice %arg4[%mul3A_2, %dma_wait3A_13] : memref<4096x768xf32, #tpu.memory_space<hbm>> -> memref<128x768xf32, #tpu.memory_space<hbm>>
      tpu.wait_dma2 semaphore(%run_scoped3A : memref<!tpu.dma_semaphore, #tpu.memory_space<semaphore_mem>>) src(%arg6 : memref<128x768xf32, #tpu.memory_space<vmem>>) dst(%dma_wait3A_14 : memref<128x768xf32, #tpu.memory_space<hbm>>)
      tpu.yield
    }) : () -> ()
    return
  }
}

module attributes {stable_mosaic.version = 14 : i64} {
  func.func @_router_kernel(%arg0: memref<2048x768xbf16, #tpu.memory_space<vmem>>, %arg1: memref<768x8xf32, #tpu.memory_space<vmem>>, %arg2: memref<1x8xf32, #tpu.memory_space<vmem>>, %arg3: memref<256x256xbf16, #tpu.memory_space<vmem>>, %arg4: memref<2048x8xf32, #tpu.memory_space<vmem>>, %arg5: memref<2048x1xf32, #tpu.memory_space<vmem>>, %arg6: memref<2048x1xf32, #tpu.memory_space<vmem>>, %arg7: memref<2048x1xi32, #tpu.memory_space<vmem>>, %arg8: memref<2048x1xi32, #tpu.memory_space<vmem>>, %arg9: memref<1x16xi32, #tpu.memory_space<vmem>>) attributes {dimension_semantics = [], scalar_prefetch = 0 : i64, scratch_operands = 0 : i64, tpu.core_type = #tpu.core_type<tc>} {
    %get3A = arith.constant 0 : index
    %get3A_0 = arith.constant 0 : index
    %get3A_1 = vector.load %arg0[%get3A, %get3A_0] : memref<2048x768xbf16, #tpu.memory_space<vmem>>, vector<2048x768xbf16>
    %get3A_2 = arith.constant 0 : index
    %get3A_3 = arith.constant 0 : index
    %get3A_4 = vector.load %arg1[%get3A_2, %get3A_3] : memref<768x8xf32, #tpu.memory_space<vmem>>, vector<768x8xf32>
    %convert_element_type3A = arith.truncf %get3A_4 : vector<768x8xf32> to vector<768x8xbf16>
    %dot_general3A = arith.constant dense<0.000000e+00> : vector<2048x8xf32>
    %dot_general3A_5 = tpu.matmul %get3A_1, %convert_element_type3A, %dot_general3A {dimension_numbers = #tpu.dot_dimension_numbers<[1], [0], [0], [1], [0, 0, 1, 1], [], []>, transpose_lhs_hint = false} : vector<2048x768xbf16>, vector<768x8xbf16>, vector<2048x8xf32> -> vector<2048x8xf32>
    %get3A_6 = arith.constant 0 : index
    %get3A_7 = arith.constant 0 : index
    %get3A_8 = vector.load %arg2[%get3A_6, %get3A_7] : memref<1x8xf32, #tpu.memory_space<vmem>>, vector<1x8xf32>
    %add3A = vector.broadcast %get3A_8 : vector<1x8xf32> to vector<2048x8xf32>
    %add3A_9 = arith.addf %dot_general3A_5, %add3A : vector<2048x8xf32>
    %iota3A = tpu.iota {dimensions = array<i32: 1>} : vector<2048x8xi32>
    %reduce_max3A = arith.constant dense<0xFF800000> : vector<2048xf32>
    %reduce_max3A_10 = vector.multi_reduction <maximumf>, %add3A_9, %reduce_max3A [1] : vector<2048x8xf32> to vector<2048xf32>
    %broadcast_in_dim3A = vector.shape_cast %reduce_max3A_10 : vector<2048xf32> to vector<2048x1xf32>
    %eq3A = vector.broadcast %broadcast_in_dim3A : vector<2048x1xf32> to vector<2048x8xf32>
    %eq3A_11 = arith.cmpf oeq, %add3A_9, %eq3A : vector<2048x8xf32>
    %jit3A = arith.constant 8 : i32
    %broadcast_in_dim3A_12 = vector.broadcast %jit3A : i32 to vector<2048x8xi32>
    %select_n3A = arith.select %eq3A_11, %iota3A, %broadcast_in_dim3A_12 : vector<2048x8xi1>, vector<2048x8xi32>
    %reduce_min3A = arith.constant dense<2147483647> : vector<2048xi32>
    %reduce_min3A_13 = vector.multi_reduction <minsi>, %select_n3A, %reduce_min3A [1] : vector<2048x8xi32> to vector<2048xi32>
    %broadcast_in_dim3A_14 = vector.shape_cast %reduce_min3A_13 : vector<2048xi32> to vector<2048x1xi32>
    %eq3A_15 = vector.broadcast %broadcast_in_dim3A_14 : vector<2048x1xi32> to vector<2048x8xi32>
    %eq3A_16 = arith.cmpi eq, %iota3A, %eq3A_15 : vector<2048x8xi32>
    %convert_element_type3A_17 = arith.extui %eq3A_16 : vector<2048x8xi1> to vector<2048x8xi32>
    %convert_element_type3A_18 = arith.sitofp %convert_element_type3A_17 : vector<2048x8xi32> to vector<2048x8xf32>
    %eq3A_19 = vector.broadcast %broadcast_in_dim3A_14 : vector<2048x1xi32> to vector<2048x8xi32>
    %eq3A_20 = arith.cmpi eq, %iota3A, %eq3A_19 : vector<2048x8xi32>
    %jit3A_21 = arith.constant 0xFF800000 : f32
    %broadcast_in_dim3A_22 = vector.broadcast %jit3A_21 : f32 to vector<2048x8xf32>
    %select_n3A_23 = arith.select %eq3A_20, %broadcast_in_dim3A_22, %add3A_9 : vector<2048x8xi1>, vector<2048x8xf32>
    %reduce_max3A_24 = arith.constant dense<0xFF800000> : vector<2048xf32>
    %reduce_max3A_25 = vector.multi_reduction <maximumf>, %select_n3A_23, %reduce_max3A_24 [1] : vector<2048x8xf32> to vector<2048xf32>
    %broadcast_in_dim3A_26 = vector.shape_cast %reduce_max3A_25 : vector<2048xf32> to vector<2048x1xf32>
    %eq3A_27 = vector.broadcast %broadcast_in_dim3A_26 : vector<2048x1xf32> to vector<2048x8xf32>
    %eq3A_28 = arith.cmpf oeq, %select_n3A_23, %eq3A_27 : vector<2048x8xf32>
    %jit3A_29 = arith.constant 8 : i32
    %broadcast_in_dim3A_30 = vector.broadcast %jit3A_29 : i32 to vector<2048x8xi32>
    %select_n3A_31 = arith.select %eq3A_28, %iota3A, %broadcast_in_dim3A_30 : vector<2048x8xi1>, vector<2048x8xi32>
    %reduce_min3A_32 = arith.constant dense<2147483647> : vector<2048xi32>
    %reduce_min3A_33 = vector.multi_reduction <minsi>, %select_n3A_31, %reduce_min3A_32 [1] : vector<2048x8xi32> to vector<2048xi32>
    %broadcast_in_dim3A_34 = vector.shape_cast %reduce_min3A_33 : vector<2048xi32> to vector<2048x1xi32>
    %eq3A_35 = vector.broadcast %broadcast_in_dim3A_34 : vector<2048x1xi32> to vector<2048x8xi32>
    %eq3A_36 = arith.cmpi eq, %iota3A, %eq3A_35 : vector<2048x8xi32>
    %convert_element_type3A_37 = arith.extui %eq3A_36 : vector<2048x8xi1> to vector<2048x8xi32>
    %convert_element_type3A_38 = arith.sitofp %convert_element_type3A_37 : vector<2048x8xi32> to vector<2048x8xf32>
    %sub3A = arith.subf %broadcast_in_dim3A, %broadcast_in_dim3A_26 : vector<2048x1xf32>
    %logistic3A = arith.negf %sub3A : vector<2048x1xf32>
    %logistic3A_39 = math.exp %logistic3A : vector<2048x1xf32>
    %logistic3A_40 = arith.constant 1.000000e+00 : f32
    %logistic3A_41 = vector.broadcast %logistic3A_40 : f32 to vector<2048x1xf32>
    %logistic3A_42 = arith.addf %logistic3A_41, %logistic3A_39 : vector<2048x1xf32>
    %logistic3A_43 = arith.divf %logistic3A_41, %logistic3A_42 : vector<2048x1xf32>
    %sub3A_44 = arith.subf %broadcast_in_dim3A_26, %broadcast_in_dim3A : vector<2048x1xf32>
    %logistic3A_45 = arith.negf %sub3A_44 : vector<2048x1xf32>
    %logistic3A_46 = math.exp %logistic3A_45 : vector<2048x1xf32>
    %logistic3A_47 = arith.constant 1.000000e+00 : f32
    %logistic3A_48 = vector.broadcast %logistic3A_47 : f32 to vector<2048x1xf32>
    %logistic3A_49 = arith.addf %logistic3A_48, %logistic3A_46 : vector<2048x1xf32>
    %logistic3A_50 = arith.divf %logistic3A_48, %logistic3A_49 : vector<2048x1xf32>
    %mul3A = vector.broadcast %logistic3A_43 : vector<2048x1xf32> to vector<2048x8xf32>
    %mul3A_51 = arith.mulf %mul3A, %convert_element_type3A_18 : vector<2048x8xf32>
    %mul3A_52 = vector.broadcast %logistic3A_50 : vector<2048x1xf32> to vector<2048x8xf32>
    %mul3A_53 = arith.mulf %mul3A_52, %convert_element_type3A_38 : vector<2048x8xf32>
    %add3A_54 = arith.addf %mul3A_51, %mul3A_53 : vector<2048x8xf32>
    %swap3A = arith.constant 0 : index
    %swap3A_55 = arith.constant 0 : index
    %swap3A_56 = vector.load %arg4[%swap3A, %swap3A_55] : memref<2048x8xf32, #tpu.memory_space<vmem>>, vector<2048x8xf32>
    tpu.vector_store %arg4[%swap3A, %swap3A_55], %add3A_54 {strides = array<i32>} : memref<2048x8xf32, #tpu.memory_space<vmem>>, vector<2048x8xf32>,
    %swap3A_57 = arith.constant 0 : index
    %swap3A_58 = arith.constant 0 : index
    %swap3A_59 = vector.load %arg5[%swap3A_57, %swap3A_58] : memref<2048x1xf32, #tpu.memory_space<vmem>>, vector<2048x1xf32>
    tpu.vector_store %arg5[%swap3A_57, %swap3A_58], %logistic3A_43 {strides = array<i32>} : memref<2048x1xf32, #tpu.memory_space<vmem>>, vector<2048x1xf32>,
    %swap3A_60 = arith.constant 0 : index
    %swap3A_61 = arith.constant 0 : index
    %swap3A_62 = vector.load %arg6[%swap3A_60, %swap3A_61] : memref<2048x1xf32, #tpu.memory_space<vmem>>, vector<2048x1xf32>
    tpu.vector_store %arg6[%swap3A_60, %swap3A_61], %logistic3A_50 {strides = array<i32>} : memref<2048x1xf32, #tpu.memory_space<vmem>>, vector<2048x1xf32>,
    %add3A_63 = arith.addf %convert_element_type3A_18, %convert_element_type3A_38 : vector<2048x8xf32>
    %convert_element_type3A_64 = arith.truncf %add3A_63 : vector<2048x8xf32> to vector<2048x8xbf16>
    %broadcast_in_dim3A_65 = arith.constant 0.000000e+00 : f32
    %broadcast_in_dim3A_66 = vector.broadcast %broadcast_in_dim3A_65 : f32 to vector<1x8xf32>
    %get3A_67 = arith.constant 0 : index
    %get3A_68 = arith.constant 0 : index
    %get3A_69 = vector.load %arg3[%get3A_67, %get3A_68] : memref<256x256xbf16, #tpu.memory_space<vmem>>, vector<256x256xbf16>
    %slice3A = vector.extract_strided_slice %convert_element_type3A_64 {offsets = [0, 0], sizes = [256, 8], strides = [1, 1]} : vector<2048x8xbf16> to vector<256x8xbf16>
    %dot_general3A_70 = arith.constant dense<0.000000e+00> : vector<256x8xf32>
    %dot_general3A_71 = tpu.matmul %get3A_69, %slice3A, %dot_general3A_70 {dimension_numbers = #tpu.dot_dimension_numbers<[1], [0], [0], [1], [0, 0, 1, 1], [], []>, transpose_lhs_hint = false} : vector<256x256xbf16>, vector<256x8xbf16>, vector<256x8xf32> -> vector<256x8xf32>
    %add3A_72 = vector.broadcast %broadcast_in_dim3A_66 : vector<1x8xf32> to vector<256x8xf32>
    %add3A_73 = arith.addf %dot_general3A_71, %add3A_72 : vector<256x8xf32>
    %slice3A_74 = vector.extract_strided_slice %dot_general3A_71 {offsets = [255, 0], sizes = [1, 8], strides = [1, 1]} : vector<256x8xf32> to vector<1x8xf32>
    %add3A_75 = arith.addf %broadcast_in_dim3A_66, %slice3A_74 : vector<1x8xf32>
    %get3A_76 = arith.constant 0 : index
    %get3A_77 = arith.constant 0 : index
    %get3A_78 = vector.load %arg3[%get3A_76, %get3A_77] : memref<256x256xbf16, #tpu.memory_space<vmem>>, vector<256x256xbf16>
    %slice3A_79 = vector.extract_strided_slice %convert_element_type3A_64 {offsets = [256, 0], sizes = [256, 8], strides = [1, 1]} : vector<2048x8xbf16> to vector<256x8xbf16>
    %dot_general3A_80 = arith.constant dense<0.000000e+00> : vector<256x8xf32>
    %dot_general3A_81 = tpu.matmul %get3A_78, %slice3A_79, %dot_general3A_80 {dimension_numbers = #tpu.dot_dimension_numbers<[1], [0], [0], [1], [0, 0, 1, 1], [], []>, transpose_lhs_hint = false} : vector<256x256xbf16>, vector<256x8xbf16>, vector<256x8xf32> -> vector<256x8xf32>
    %add3A_82 = vector.broadcast %add3A_75 : vector<1x8xf32> to vector<256x8xf32>
    %add3A_83 = arith.addf %dot_general3A_81, %add3A_82 : vector<256x8xf32>
    %slice3A_84 = vector.extract_strided_slice %dot_general3A_81 {offsets = [255, 0], sizes = [1, 8], strides = [1, 1]} : vector<256x8xf32> to vector<1x8xf32>
    %add3A_85 = arith.addf %add3A_75, %slice3A_84 : vector<1x8xf32>
    %get3A_86 = arith.constant 0 : index
    %get3A_87 = arith.constant 0 : index
    %get3A_88 = vector.load %arg3[%get3A_86, %get3A_87] : memref<256x256xbf16, #tpu.memory_space<vmem>>, vector<256x256xbf16>
    %slice3A_89 = vector.extract_strided_slice %convert_element_type3A_64 {offsets = [512, 0], sizes = [256, 8], strides = [1, 1]} : vector<2048x8xbf16> to vector<256x8xbf16>
    %dot_general3A_90 = arith.constant dense<0.000000e+00> : vector<256x8xf32>
    %dot_general3A_91 = tpu.matmul %get3A_88, %slice3A_89, %dot_general3A_90 {dimension_numbers = #tpu.dot_dimension_numbers<[1], [0], [0], [1], [0, 0, 1, 1], [], []>, transpose_lhs_hint = false} : vector<256x256xbf16>, vector<256x8xbf16>, vector<256x8xf32> -> vector<256x8xf32>
    %add3A_92 = vector.broadcast %add3A_85 : vector<1x8xf32> to vector<256x8xf32>
    %add3A_93 = arith.addf %dot_general3A_91, %add3A_92 : vector<256x8xf32>
    %slice3A_94 = vector.extract_strided_slice %dot_general3A_91 {offsets = [255, 0], sizes = [1, 8], strides = [1, 1]} : vector<256x8xf32> to vector<1x8xf32>
    %add3A_95 = arith.addf %add3A_85, %slice3A_94 : vector<1x8xf32>
    %get3A_96 = arith.constant 0 : index
    %get3A_97 = arith.constant 0 : index
    %get3A_98 = vector.load %arg3[%get3A_96, %get3A_97] : memref<256x256xbf16, #tpu.memory_space<vmem>>, vector<256x256xbf16>
    %slice3A_99 = vector.extract_strided_slice %convert_element_type3A_64 {offsets = [768, 0], sizes = [256, 8], strides = [1, 1]} : vector<2048x8xbf16> to vector<256x8xbf16>
    %dot_general3A_100 = arith.constant dense<0.000000e+00> : vector<256x8xf32>
    %dot_general3A_101 = tpu.matmul %get3A_98, %slice3A_99, %dot_general3A_100 {dimension_numbers = #tpu.dot_dimension_numbers<[1], [0], [0], [1], [0, 0, 1, 1], [], []>, transpose_lhs_hint = false} : vector<256x256xbf16>, vector<256x8xbf16>, vector<256x8xf32> -> vector<256x8xf32>
    %add3A_102 = vector.broadcast %add3A_95 : vector<1x8xf32> to vector<256x8xf32>
    %add3A_103 = arith.addf %dot_general3A_101, %add3A_102 : vector<256x8xf32>
    %slice3A_104 = vector.extract_strided_slice %dot_general3A_101 {offsets = [255, 0], sizes = [1, 8], strides = [1, 1]} : vector<256x8xf32> to vector<1x8xf32>
    %add3A_105 = arith.addf %add3A_95, %slice3A_104 : vector<1x8xf32>
    %get3A_106 = arith.constant 0 : index
    %get3A_107 = arith.constant 0 : index
    %get3A_108 = vector.load %arg3[%get3A_106, %get3A_107] : memref<256x256xbf16, #tpu.memory_space<vmem>>, vector<256x256xbf16>
    %slice3A_109 = vector.extract_strided_slice %convert_element_type3A_64 {offsets = [1024, 0], sizes = [256, 8], strides = [1, 1]} : vector<2048x8xbf16> to vector<256x8xbf16>
    %dot_general3A_110 = arith.constant dense<0.000000e+00> : vector<256x8xf32>
    %dot_general3A_111 = tpu.matmul %get3A_108, %slice3A_109, %dot_general3A_110 {dimension_numbers = #tpu.dot_dimension_numbers<[1], [0], [0], [1], [0, 0, 1, 1], [], []>, transpose_lhs_hint = false} : vector<256x256xbf16>, vector<256x8xbf16>, vector<256x8xf32> -> vector<256x8xf32>
    %add3A_112 = vector.broadcast %add3A_105 : vector<1x8xf32> to vector<256x8xf32>
    %add3A_113 = arith.addf %dot_general3A_111, %add3A_112 : vector<256x8xf32>
    %slice3A_114 = vector.extract_strided_slice %dot_general3A_111 {offsets = [255, 0], sizes = [1, 8], strides = [1, 1]} : vector<256x8xf32> to vector<1x8xf32>
    %add3A_115 = arith.addf %add3A_105, %slice3A_114 : vector<1x8xf32>
    %get3A_116 = arith.constant 0 : index
    %get3A_117 = arith.constant 0 : index
    %get3A_118 = vector.load %arg3[%get3A_116, %get3A_117] : memref<256x256xbf16, #tpu.memory_space<vmem>>, vector<256x256xbf16>
    %slice3A_119 = vector.extract_strided_slice %convert_element_type3A_64 {offsets = [1280, 0], sizes = [256, 8], strides = [1, 1]} : vector<2048x8xbf16> to vector<256x8xbf16>
    %dot_general3A_120 = arith.constant dense<0.000000e+00> : vector<256x8xf32>
    %dot_general3A_121 = tpu.matmul %get3A_118, %slice3A_119, %dot_general3A_120 {dimension_numbers = #tpu.dot_dimension_numbers<[1], [0], [0], [1], [0, 0, 1, 1], [], []>, transpose_lhs_hint = false} : vector<256x256xbf16>, vector<256x8xbf16>, vector<256x8xf32> -> vector<256x8xf32>
    %add3A_122 = vector.broadcast %add3A_115 : vector<1x8xf32> to vector<256x8xf32>
    %add3A_123 = arith.addf %dot_general3A_121, %add3A_122 : vector<256x8xf32>
    %slice3A_124 = vector.extract_strided_slice %dot_general3A_121 {offsets = [255, 0], sizes = [1, 8], strides = [1, 1]} : vector<256x8xf32> to vector<1x8xf32>
    %add3A_125 = arith.addf %add3A_115, %slice3A_124 : vector<1x8xf32>
    %get3A_126 = arith.constant 0 : index
    %get3A_127 = arith.constant 0 : index
    %get3A_128 = vector.load %arg3[%get3A_126, %get3A_127] : memref<256x256xbf16, #tpu.memory_space<vmem>>, vector<256x256xbf16>
    %slice3A_129 = vector.extract_strided_slice %convert_element_type3A_64 {offsets = [1536, 0], sizes = [256, 8], strides = [1, 1]} : vector<2048x8xbf16> to vector<256x8xbf16>
    %dot_general3A_130 = arith.constant dense<0.000000e+00> : vector<256x8xf32>
    %dot_general3A_131 = tpu.matmul %get3A_128, %slice3A_129, %dot_general3A_130 {dimension_numbers = #tpu.dot_dimension_numbers<[1], [0], [0], [1], [0, 0, 1, 1], [], []>, transpose_lhs_hint = false} : vector<256x256xbf16>, vector<256x8xbf16>, vector<256x8xf32> -> vector<256x8xf32>
    %add3A_132 = vector.broadcast %add3A_125 : vector<1x8xf32> to vector<256x8xf32>
    %add3A_133 = arith.addf %dot_general3A_131, %add3A_132 : vector<256x8xf32>
    %slice3A_134 = vector.extract_strided_slice %dot_general3A_131 {offsets = [255, 0], sizes = [1, 8], strides = [1, 1]} : vector<256x8xf32> to vector<1x8xf32>
    %add3A_135 = arith.addf %add3A_125, %slice3A_134 : vector<1x8xf32>
    %get3A_136 = arith.constant 0 : index
    %get3A_137 = arith.constant 0 : index
    %get3A_138 = vector.load %arg3[%get3A_136, %get3A_137] : memref<256x256xbf16, #tpu.memory_space<vmem>>, vector<256x256xbf16>
    %slice3A_139 = vector.extract_strided_slice %convert_element_type3A_64 {offsets = [1792, 0], sizes = [256, 8], strides = [1, 1]} : vector<2048x8xbf16> to vector<256x8xbf16>
    %dot_general3A_140 = arith.constant dense<0.000000e+00> : vector<256x8xf32>
    %dot_general3A_141 = tpu.matmul %get3A_138, %slice3A_139, %dot_general3A_140 {dimension_numbers = #tpu.dot_dimension_numbers<[1], [0], [0], [1], [0, 0, 1, 1], [], []>, transpose_lhs_hint = false} : vector<256x256xbf16>, vector<256x8xbf16>, vector<256x8xf32> -> vector<256x8xf32>
    %add3A_142 = vector.broadcast %add3A_135 : vector<1x8xf32> to vector<256x8xf32>
    %add3A_143 = arith.addf %dot_general3A_141, %add3A_142 : vector<256x8xf32>
    %slice3A_144 = vector.extract_strided_slice %dot_general3A_141 {offsets = [255, 0], sizes = [1, 8], strides = [1, 1]} : vector<256x8xf32> to vector<1x8xf32>
    %add3A_145 = arith.addf %add3A_135, %slice3A_144 : vector<1x8xf32>
    %concatenate3A = tpu.concatenate %add3A_73, %add3A_83, %add3A_93, %add3A_103, %add3A_113, %add3A_123, %add3A_133, %add3A_143 in 0 : vector<256x8xf32>, vector<256x8xf32>, vector<256x8xf32>, vector<256x8xf32>, vector<256x8xf32>, vector<256x8xf32>, vector<256x8xf32>, vector<256x8xf32> -> vector<2048x8xf32>
    %add3A_146 = arith.constant 2.550000e+02 : f32
    %add3A_147 = vector.broadcast %add3A_146 : f32 to vector<1x8xf32>
    %add3A_148 = arith.addf %add3A_145, %add3A_147 : vector<1x8xf32>
    %mul3A_149 = arith.constant 3.906250e-03 : f32
    %mul3A_150 = vector.broadcast %mul3A_149 : f32 to vector<1x8xf32>
    %mul3A_151 = arith.mulf %add3A_148, %mul3A_150 : vector<1x8xf32>
    %floor3A = math.floor %mul3A_151 : vector<1x8xf32>
    %mul3A_152 = arith.constant 2.560000e+02 : f32
    %mul3A_153 = vector.broadcast %mul3A_152 : f32 to vector<1x8xf32>
    %mul3A_154 = arith.mulf %floor3A, %mul3A_153 : vector<1x8xf32>
    %broadcast_in_dim3A_155 = arith.constant 0.000000e+00 : f32
    %broadcast_in_dim3A_156 = vector.broadcast %broadcast_in_dim3A_155 : f32 to vector<1x8xf32>
    %broadcast_in_dim3A_157 = arith.constant 0.000000e+00 : f32
    %broadcast_in_dim3A_158 = vector.broadcast %broadcast_in_dim3A_157 : f32 to vector<1x1xf32>
    %slice3A_159 = vector.extract_strided_slice %mul3A_154 {offsets = [0, 0], sizes = [1, 7], strides = [1, 1]} : vector<1x8xf32> to vector<1x7xf32>
    %concatenate3A_160 = tpu.concatenate %broadcast_in_dim3A_158, %slice3A_159 in 1 : vector<1x1xf32>, vector<1x7xf32> -> vector<1x8xf32>
    %add3A_161 = arith.addf %broadcast_in_dim3A_156, %concatenate3A_160 : vector<1x8xf32>
    %broadcast_in_dim3A_162 = arith.constant 0.000000e+00 : f32
    %broadcast_in_dim3A_163 = vector.broadcast %broadcast_in_dim3A_162 : f32 to vector<1x2xf32>
    %slice3A_164 = vector.extract_strided_slice %mul3A_154 {offsets = [0, 0], sizes = [1, 6], strides = [1, 1]} : vector<1x8xf32> to vector<1x6xf32>
    %concatenate3A_165 = tpu.concatenate %broadcast_in_dim3A_163, %slice3A_164 in 1 : vector<1x2xf32>, vector<1x6xf32> -> vector<1x8xf32>
    %add3A_166 = arith.addf %add3A_161, %concatenate3A_165 : vector<1x8xf32>
    %broadcast_in_dim3A_167 = arith.constant 0.000000e+00 : f32
    %broadcast_in_dim3A_168 = vector.broadcast %broadcast_in_dim3A_167 : f32 to vector<1x3xf32>
    %slice3A_169 = vector.extract_strided_slice %mul3A_154 {offsets = [0, 0], sizes = [1, 5], strides = [1, 1]} : vector<1x8xf32> to vector<1x5xf32>
    %concatenate3A_170 = tpu.concatenate %broadcast_in_dim3A_168, %slice3A_169 in 1 : vector<1x3xf32>, vector<1x5xf32> -> vector<1x8xf32>
    %add3A_171 = arith.addf %add3A_166, %concatenate3A_170 : vector<1x8xf32>
    %broadcast_in_dim3A_172 = arith.constant 0.000000e+00 : f32
    %broadcast_in_dim3A_173 = vector.broadcast %broadcast_in_dim3A_172 : f32 to vector<1x4xf32>
    %slice3A_174 = vector.extract_strided_slice %mul3A_154 {offsets = [0, 0], sizes = [1, 4], strides = [1, 1]} : vector<1x8xf32> to vector<1x4xf32>
    %concatenate3A_175 = tpu.concatenate %broadcast_in_dim3A_173, %slice3A_174 in 1 : vector<1x4xf32>, vector<1x4xf32> -> vector<1x8xf32>
    %add3A_176 = arith.addf %add3A_171, %concatenate3A_175 : vector<1x8xf32>
    %broadcast_in_dim3A_177 = arith.constant 0.000000e+00 : f32
    %broadcast_in_dim3A_178 = vector.broadcast %broadcast_in_dim3A_177 : f32 to vector<1x5xf32>
    %slice3A_179 = vector.extract_strided_slice %mul3A_154 {offsets = [0, 0], sizes = [1, 3], strides = [1, 1]} : vector<1x8xf32> to vector<1x3xf32>
    %concatenate3A_180 = tpu.concatenate %broadcast_in_dim3A_178, %slice3A_179 in 1 : vector<1x5xf32>, vector<1x3xf32> -> vector<1x8xf32>
    %add3A_181 = arith.addf %add3A_176, %concatenate3A_180 : vector<1x8xf32>
    %broadcast_in_dim3A_182 = arith.constant 0.000000e+00 : f32
    %broadcast_in_dim3A_183 = vector.broadcast %broadcast_in_dim3A_182 : f32 to vector<1x6xf32>
    %slice3A_184 = vector.extract_strided_slice %mul3A_154 {offsets = [0, 0], sizes = [1, 2], strides = [1, 1]} : vector<1x8xf32> to vector<1x2xf32>
    %concatenate3A_185 = tpu.concatenate %broadcast_in_dim3A_183, %slice3A_184 in 1 : vector<1x6xf32>, vector<1x2xf32> -> vector<1x8xf32>
    %add3A_186 = arith.addf %add3A_181, %concatenate3A_185 : vector<1x8xf32>
    %broadcast_in_dim3A_187 = arith.constant 0.000000e+00 : f32
    %broadcast_in_dim3A_188 = vector.broadcast %broadcast_in_dim3A_187 : f32 to vector<1x7xf32>
    %slice3A_189 = vector.extract_strided_slice %mul3A_154 {offsets = [0, 0], sizes = [1, 1], strides = [1, 1]} : vector<1x8xf32> to vector<1x1xf32>
    %concatenate3A_190 = tpu.concatenate %broadcast_in_dim3A_188, %slice3A_189 in 1 : vector<1x7xf32>, vector<1x1xf32> -> vector<1x8xf32>
    %add3A_191 = arith.addf %add3A_186, %concatenate3A_190 : vector<1x8xf32>
    %mul3A_192 = arith.mulf %convert_element_type3A_18, %concatenate3A : vector<2048x8xf32>
    %reduce_sum3A = arith.constant dense<0.000000e+00> : vector<2048xf32>
    %reduce_sum3A_193 = vector.multi_reduction <add>, %mul3A_192, %reduce_sum3A [1] : vector<2048x8xf32> to vector<2048xf32>
    %broadcast_in_dim3A_194 = vector.shape_cast %reduce_sum3A_193 : vector<2048xf32> to vector<2048x1xf32>
    %mul3A_195 = arith.mulf %convert_element_type3A_38, %concatenate3A : vector<2048x8xf32>
    %reduce_sum3A_196 = arith.constant dense<0.000000e+00> : vector<2048xf32>
    %reduce_sum3A_197 = vector.multi_reduction <add>, %mul3A_195, %reduce_sum3A_196 [1] : vector<2048x8xf32> to vector<2048xf32>
    %broadcast_in_dim3A_198 = vector.shape_cast %reduce_sum3A_197 : vector<2048xf32> to vector<2048x1xf32>
    %mul3A_199 = vector.broadcast %add3A_191 : vector<1x8xf32> to vector<2048x8xf32>
    %mul3A_200 = arith.mulf %convert_element_type3A_18, %mul3A_199 : vector<2048x8xf32>
    %reduce_sum3A_201 = arith.constant dense<0.000000e+00> : vector<2048xf32>
    %reduce_sum3A_202 = vector.multi_reduction <add>, %mul3A_200, %reduce_sum3A_201 [1] : vector<2048x8xf32> to vector<2048xf32>
    %broadcast_in_dim3A_203 = vector.shape_cast %reduce_sum3A_202 : vector<2048xf32> to vector<2048x1xf32>
    %mul3A_204 = vector.broadcast %add3A_191 : vector<1x8xf32> to vector<2048x8xf32>
    %mul3A_205 = arith.mulf %convert_element_type3A_38, %mul3A_204 : vector<2048x8xf32>
    %reduce_sum3A_206 = arith.constant dense<0.000000e+00> : vector<2048xf32>
    %reduce_sum3A_207 = vector.multi_reduction <add>, %mul3A_205, %reduce_sum3A_206 [1] : vector<2048x8xf32> to vector<2048xf32>
    %broadcast_in_dim3A_208 = vector.shape_cast %reduce_sum3A_207 : vector<2048xf32> to vector<2048x1xf32>
    %add3A_209 = arith.addf %broadcast_in_dim3A_203, %broadcast_in_dim3A_194 : vector<2048x1xf32>
    %sub3A_210 = arith.constant 1.000000e+00 : f32
    %sub3A_211 = vector.broadcast %sub3A_210 : f32 to vector<2048x1xf32>
    %sub3A_212 = arith.subf %add3A_209, %sub3A_211 : vector<2048x1xf32>
    %convert_element_type3A_213 = arith.fptosi %sub3A_212 : vector<2048x1xf32> to vector<2048x1xi32>
    %swap3A_214 = arith.constant 0 : index
    %swap3A_215 = arith.constant 0 : index
    %swap3A_216 = vector.load %arg7[%swap3A_214, %swap3A_215] : memref<2048x1xi32, #tpu.memory_space<vmem>>, vector<2048x1xi32>
    tpu.vector_store %arg7[%swap3A_214, %swap3A_215], %convert_element_type3A_213 {strides = array<i32>} : memref<2048x1xi32, #tpu.memory_space<vmem>>, vector<2048x1xi32>,
    %add3A_217 = arith.addf %broadcast_in_dim3A_208, %broadcast_in_dim3A_198 : vector<2048x1xf32>
    %sub3A_218 = arith.constant 1.000000e+00 : f32
    %sub3A_219 = vector.broadcast %sub3A_218 : f32 to vector<2048x1xf32>
    %sub3A_220 = arith.subf %add3A_217, %sub3A_219 : vector<2048x1xf32>
    %convert_element_type3A_221 = arith.fptosi %sub3A_220 : vector<2048x1xf32> to vector<2048x1xi32>
    %swap3A_222 = arith.constant 0 : index
    %swap3A_223 = arith.constant 0 : index
    %swap3A_224 = vector.load %arg8[%swap3A_222, %swap3A_223] : memref<2048x1xi32, #tpu.memory_space<vmem>>, vector<2048x1xi32>
    tpu.vector_store %arg8[%swap3A_222, %swap3A_223], %convert_element_type3A_221 {strides = array<i32>} : memref<2048x1xi32, #tpu.memory_space<vmem>>, vector<2048x1xi32>,
    %concatenate3A_225 = tpu.concatenate %add3A_191, %add3A_145 in 1 : vector<1x8xf32>, vector<1x8xf32> -> vector<1x16xf32>
    %convert_element_type3A_226 = arith.fptosi %concatenate3A_225 : vector<1x16xf32> to vector<1x16xi32>
    %swap3A_227 = arith.constant 0 : index
    %swap3A_228 = arith.constant 0 : index
    %swap3A_229 = vector.load %arg9[%swap3A_227, %swap3A_228] : memref<1x16xi32, #tpu.memory_space<vmem>>, vector<1x16xi32>
    tpu.vector_store %arg9[%swap3A_227, %swap3A_228], %convert_element_type3A_226 {strides = array<i32>} : memref<1x16xi32, #tpu.memory_space<vmem>>, vector<1x16xi32>,
    return
  }
}

module attributes {stable_mosaic.version = 14 : i64} {
  func.func @_expert_kernel(%arg0: i32, %arg1: i32, %arg2: i32, %arg3: memref<16xi32, #tpu.memory_space<smem>>, %arg4: memref<256x768xf32, #tpu.memory_space<vmem>>, %arg5: memref<8x768x3072xbf16, #tpu.memory_space<hbm>>, %arg6: memref<1x1x3072xf32, #tpu.memory_space<vmem>>, %arg7: memref<8x1536x768xbf16, #tpu.memory_space<hbm>>, %arg8: memref<1x1x768xf32, #tpu.memory_space<vmem>>, %arg9: memref<256x768xf32, #tpu.memory_space<vmem>>, %arg10: memref<4x768x3072xbf16, #tpu.memory_space<vmem>>, %arg11: memref<4x1536x768xbf16, #tpu.memory_space<vmem>>, %arg12: memref<4x!tpu.dma_semaphore, #tpu.memory_space<semaphore_mem>>, %arg13: memref<4x!tpu.dma_semaphore, #tpu.memory_space<semaphore_mem>>) attributes {dimension_semantics = [#tpu.dimension_semantics<parallel>, #tpu.dimension_semantics<arbitrary>, #tpu.dimension_semantics<arbitrary>], iteration_bounds = array<i64: 2, 4, 8>, scalar_prefetch = 1 : i64, scratch_operands = 4 : i64, tpu.core_type = #tpu.core_type<tc>, window_params = [{transform_indices = @transform_0, window_bounds = array<i64: 256, 768>}, {}, {transform_indices = @transform_2, window_bounds = array<i64: 1, 1, 3072>}, {}, {transform_indices = @transform_4, window_bounds = array<i64: 1, 1, 768>}, {transform_indices = @transform_5, window_bounds = array<i64: 256, 768>}]} {
    %mul3A = arith.constant 4 : i32
    %mul3A_0 = arith.muli %arg0, %mul3A : i32
    %add3A = arith.addi %mul3A_0, %arg1 : i32
    %eq3A = arith.constant 0 : i32
    %eq3A_1 = arith.cmpi eq, %arg1, %eq3A : i32
    %eq3A_2 = arith.constant 0 : i32
    %eq3A_3 = arith.cmpi eq, %arg2, %eq3A_2 : i32
    %and3A = arith.andi %eq3A_1, %eq3A_3 : i1
    %convert_element_type3A = arith.extui %and3A : i1 to i32
    %cond3A = arith.constant 0 : i32
    %cond3A_4 = arith.cmpi ne, %convert_element_type3A, %cond3A : i32
    scf.if %cond3A_4 {
      %mul3A_35 = arith.constant 4 : i32
      %mul3A_36 = arith.muli %arg0, %mul3A_35 : i32
      %add3A_37 = arith.constant 0 : i32
      %add3A_38 = arith.addi %mul3A_36, %add3A_37 : i32
      %dma_start3A = arith.constant 0 : i32
      %dma_start3A_39 = arith.constant 0 : i32
      %dma_start3A_40 = tpu.memref_slice %arg12[%dma_start3A_39] : memref<4x!tpu.dma_semaphore, #tpu.memory_space<semaphore_mem>> -> memref<1x!tpu.dma_semaphore, #tpu.memory_space<semaphore_mem>>
      %dma_start3A_41 = tpu.memref_squeeze %dma_start3A_40 : memref<1x!tpu.dma_semaphore, #tpu.memory_space<semaphore_mem>> -> memref<!tpu.dma_semaphore, #tpu.memory_space<semaphore_mem>>
      %dma_start3A_42 = arith.constant 0 : i32
      %dma_start3A_43 = arith.constant 0 : i32
      %dma_start3A_44 = tpu.memref_slice %arg10[%dma_start3A, %dma_start3A_42, %dma_start3A_43] : memref<4x768x3072xbf16, #tpu.memory_space<vmem>> -> memref<1x768x3072xbf16, #tpu.memory_space<vmem>>
      %dma_start3A_45 = tpu.memref_squeeze %dma_start3A_44 : memref<1x768x3072xbf16, #tpu.memory_space<vmem>> -> memref<768x3072xbf16, #tpu.memory_space<vmem>>
      %dma_start3A_46 = arith.constant 0 : i32
      %dma_start3A_47 = arith.constant 0 : i32
      %dma_start3A_48 = tpu.memref_slice %arg5[%add3A_38, %dma_start3A_46, %dma_start3A_47] : memref<8x768x3072xbf16, #tpu.memory_space<hbm>> -> memref<1x768x3072xbf16, #tpu.memory_space<hbm>>
      %dma_start3A_49 = tpu.memref_squeeze %dma_start3A_48 : memref<1x768x3072xbf16, #tpu.memory_space<hbm>> -> memref<768x3072xbf16, #tpu.memory_space<hbm>>
      tpu.enqueue_dma source(%dma_start3A_49 : memref<768x3072xbf16, #tpu.memory_space<hbm>>) target(%dma_start3A_45 : memref<768x3072xbf16, #tpu.memory_space<vmem>>) target_semaphore(%dma_start3A_41 : memref<!tpu.dma_semaphore, #tpu.memory_space<semaphore_mem>>)
      %dma_start3A_50 = arith.constant 0 : i32
      %dma_start3A_51 = arith.constant 0 : i32
      %dma_start3A_52 = tpu.memref_slice %arg13[%dma_start3A_51] : memref<4x!tpu.dma_semaphore, #tpu.memory_space<semaphore_mem>> -> memref<1x!tpu.dma_semaphore, #tpu.memory_space<semaphore_mem>>
      %dma_start3A_53 = tpu.memref_squeeze %dma_start3A_52 : memref<1x!tpu.dma_semaphore, #tpu.memory_space<semaphore_mem>> -> memref<!tpu.dma_semaphore, #tpu.memory_space<semaphore_mem>>
      %dma_start3A_54 = arith.constant 0 : i32
      %dma_start3A_55 = arith.constant 0 : i32
      %dma_start3A_56 = tpu.memref_slice %arg11[%dma_start3A_50, %dma_start3A_54, %dma_start3A_55] : memref<4x1536x768xbf16, #tpu.memory_space<vmem>> -> memref<1x1536x768xbf16, #tpu.memory_space<vmem>>
      %dma_start3A_57 = tpu.memref_squeeze %dma_start3A_56 : memref<1x1536x768xbf16, #tpu.memory_space<vmem>> -> memref<1536x768xbf16, #tpu.memory_space<vmem>>
      %dma_start3A_58 = arith.constant 0 : i32
      %dma_start3A_59 = arith.constant 0 : i32
      %dma_start3A_60 = tpu.memref_slice %arg7[%add3A_38, %dma_start3A_58, %dma_start3A_59] : memref<8x1536x768xbf16, #tpu.memory_space<hbm>> -> memref<1x1536x768xbf16, #tpu.memory_space<hbm>>
      %dma_start3A_61 = tpu.memref_squeeze %dma_start3A_60 : memref<1x1536x768xbf16, #tpu.memory_space<hbm>> -> memref<1536x768xbf16, #tpu.memory_space<hbm>>
      tpu.enqueue_dma source(%dma_start3A_61 : memref<1536x768xbf16, #tpu.memory_space<hbm>>) target(%dma_start3A_57 : memref<1536x768xbf16, #tpu.memory_space<vmem>>) target_semaphore(%dma_start3A_53 : memref<!tpu.dma_semaphore, #tpu.memory_space<semaphore_mem>>)
      %mul3A_62 = arith.constant 4 : i32
      %mul3A_63 = arith.muli %arg0, %mul3A_62 : i32
      %add3A_64 = arith.constant 1 : i32
      %add3A_65 = arith.addi %mul3A_63, %add3A_64 : i32
      %dma_start3A_66 = arith.constant 1 : i32
      %dma_start3A_67 = arith.constant 1 : i32
      %dma_start3A_68 = tpu.memref_slice %arg12[%dma_start3A_67] : memref<4x!tpu.dma_semaphore, #tpu.memory_space<semaphore_mem>> -> memref<1x!tpu.dma_semaphore, #tpu.memory_space<semaphore_mem>>
      %dma_start3A_69 = tpu.memref_squeeze %dma_start3A_68 : memref<1x!tpu.dma_semaphore, #tpu.memory_space<semaphore_mem>> -> memref<!tpu.dma_semaphore, #tpu.memory_space<semaphore_mem>>
      %dma_start3A_70 = arith.constant 0 : i32
      %dma_start3A_71 = arith.constant 0 : i32
      %dma_start3A_72 = tpu.memref_slice %arg10[%dma_start3A_66, %dma_start3A_70, %dma_start3A_71] : memref<4x768x3072xbf16, #tpu.memory_space<vmem>> -> memref<1x768x3072xbf16, #tpu.memory_space<vmem>>
      %dma_start3A_73 = tpu.memref_squeeze %dma_start3A_72 : memref<1x768x3072xbf16, #tpu.memory_space<vmem>> -> memref<768x3072xbf16, #tpu.memory_space<vmem>>
      %dma_start3A_74 = arith.constant 0 : i32
      %dma_start3A_75 = arith.constant 0 : i32
      %dma_start3A_76 = tpu.memref_slice %arg5[%add3A_65, %dma_start3A_74, %dma_start3A_75] : memref<8x768x3072xbf16, #tpu.memory_space<hbm>> -> memref<1x768x3072xbf16, #tpu.memory_space<hbm>>
      %dma_start3A_77 = tpu.memref_squeeze %dma_start3A_76 : memref<1x768x3072xbf16, #tpu.memory_space<hbm>> -> memref<768x3072xbf16, #tpu.memory_space<hbm>>
      tpu.enqueue_dma source(%dma_start3A_77 : memref<768x3072xbf16, #tpu.memory_space<hbm>>) target(%dma_start3A_73 : memref<768x3072xbf16, #tpu.memory_space<vmem>>) target_semaphore(%dma_start3A_69 : memref<!tpu.dma_semaphore, #tpu.memory_space<semaphore_mem>>)
      %dma_start3A_78 = arith.constant 1 : i32
      %dma_start3A_79 = arith.constant 1 : i32
      %dma_start3A_80 = tpu.memref_slice %arg13[%dma_start3A_79] : memref<4x!tpu.dma_semaphore, #tpu.memory_space<semaphore_mem>> -> memref<1x!tpu.dma_semaphore, #tpu.memory_space<semaphore_mem>>
      %dma_start3A_81 = tpu.memref_squeeze %dma_start3A_80 : memref<1x!tpu.dma_semaphore, #tpu.memory_space<semaphore_mem>> -> memref<!tpu.dma_semaphore, #tpu.memory_space<semaphore_mem>>
      %dma_start3A_82 = arith.constant 0 : i32
      %dma_start3A_83 = arith.constant 0 : i32
      %dma_start3A_84 = tpu.memref_slice %arg11[%dma_start3A_78, %dma_start3A_82, %dma_start3A_83] : memref<4x1536x768xbf16, #tpu.memory_space<vmem>> -> memref<1x1536x768xbf16, #tpu.memory_space<vmem>>
      %dma_start3A_85 = tpu.memref_squeeze %dma_start3A_84 : memref<1x1536x768xbf16, #tpu.memory_space<vmem>> -> memref<1536x768xbf16, #tpu.memory_space<vmem>>
      %dma_start3A_86 = arith.constant 0 : i32
      %dma_start3A_87 = arith.constant 0 : i32
      %dma_start3A_88 = tpu.memref_slice %arg7[%add3A_65, %dma_start3A_86, %dma_start3A_87] : memref<8x1536x768xbf16, #tpu.memory_space<hbm>> -> memref<1x1536x768xbf16, #tpu.memory_space<hbm>>
      %dma_start3A_89 = tpu.memref_squeeze %dma_start3A_88 : memref<1x1536x768xbf16, #tpu.memory_space<hbm>> -> memref<1536x768xbf16, #tpu.memory_space<hbm>>
      tpu.enqueue_dma source(%dma_start3A_89 : memref<1536x768xbf16, #tpu.memory_space<hbm>>) target(%dma_start3A_85 : memref<1536x768xbf16, #tpu.memory_space<vmem>>) target_semaphore(%dma_start3A_81 : memref<!tpu.dma_semaphore, #tpu.memory_space<semaphore_mem>>)
      %mul3A_90 = arith.constant 4 : i32
      %mul3A_91 = arith.muli %arg0, %mul3A_90 : i32
      %add3A_92 = arith.constant 2 : i32
      %add3A_93 = arith.addi %mul3A_91, %add3A_92 : i32
      %dma_start3A_94 = arith.constant 2 : i32
      %dma_start3A_95 = arith.constant 2 : i32
      %dma_start3A_96 = tpu.memref_slice %arg12[%dma_start3A_95] : memref<4x!tpu.dma_semaphore, #tpu.memory_space<semaphore_mem>> -> memref<1x!tpu.dma_semaphore, #tpu.memory_space<semaphore_mem>>
      %dma_start3A_97 = tpu.memref_squeeze %dma_start3A_96 : memref<1x!tpu.dma_semaphore, #tpu.memory_space<semaphore_mem>> -> memref<!tpu.dma_semaphore, #tpu.memory_space<semaphore_mem>>
      %dma_start3A_98 = arith.constant 0 : i32
      %dma_start3A_99 = arith.constant 0 : i32
      %dma_start3A_100 = tpu.memref_slice %arg10[%dma_start3A_94, %dma_start3A_98, %dma_start3A_99] : memref<4x768x3072xbf16, #tpu.memory_space<vmem>> -> memref<1x768x3072xbf16, #tpu.memory_space<vmem>>
      %dma_start3A_101 = tpu.memref_squeeze %dma_start3A_100 : memref<1x768x3072xbf16, #tpu.memory_space<vmem>> -> memref<768x3072xbf16, #tpu.memory_space<vmem>>
      %dma_start3A_102 = arith.constant 0 : i32
      %dma_start3A_103 = arith.constant 0 : i32
      %dma_start3A_104 = tpu.memref_slice %arg5[%add3A_93, %dma_start3A_102, %dma_start3A_103] : memref<8x768x3072xbf16, #tpu.memory_space<hbm>> -> memref<1x768x3072xbf16, #tpu.memory_space<hbm>>
      %dma_start3A_105 = tpu.memref_squeeze %dma_start3A_104 : memref<1x768x3072xbf16, #tpu.memory_space<hbm>> -> memref<768x3072xbf16, #tpu.memory_space<hbm>>
      tpu.enqueue_dma source(%dma_start3A_105 : memref<768x3072xbf16, #tpu.memory_space<hbm>>) target(%dma_start3A_101 : memref<768x3072xbf16, #tpu.memory_space<vmem>>) target_semaphore(%dma_start3A_97 : memref<!tpu.dma_semaphore, #tpu.memory_space<semaphore_mem>>)
      %dma_start3A_106 = arith.constant 2 : i32
      %dma_start3A_107 = arith.constant 2 : i32
      %dma_start3A_108 = tpu.memref_slice %arg13[%dma_start3A_107] : memref<4x!tpu.dma_semaphore, #tpu.memory_space<semaphore_mem>> -> memref<1x!tpu.dma_semaphore, #tpu.memory_space<semaphore_mem>>
      %dma_start3A_109 = tpu.memref_squeeze %dma_start3A_108 : memref<1x!tpu.dma_semaphore, #tpu.memory_space<semaphore_mem>> -> memref<!tpu.dma_semaphore, #tpu.memory_space<semaphore_mem>>
      %dma_start3A_110 = arith.constant 0 : i32
      %dma_start3A_111 = arith.constant 0 : i32
      %dma_start3A_112 = tpu.memref_slice %arg11[%dma_start3A_106, %dma_start3A_110, %dma_start3A_111] : memref<4x1536x768xbf16, #tpu.memory_space<vmem>> -> memref<1x1536x768xbf16, #tpu.memory_space<vmem>>
      %dma_start3A_113 = tpu.memref_squeeze %dma_start3A_112 : memref<1x1536x768xbf16, #tpu.memory_space<vmem>> -> memref<1536x768xbf16, #tpu.memory_space<vmem>>
      %dma_start3A_114 = arith.constant 0 : i32
      %dma_start3A_115 = arith.constant 0 : i32
      %dma_start3A_116 = tpu.memref_slice %arg7[%add3A_93, %dma_start3A_114, %dma_start3A_115] : memref<8x1536x768xbf16, #tpu.memory_space<hbm>> -> memref<1x1536x768xbf16, #tpu.memory_space<hbm>>
      %dma_start3A_117 = tpu.memref_squeeze %dma_start3A_116 : memref<1x1536x768xbf16, #tpu.memory_space<hbm>> -> memref<1536x768xbf16, #tpu.memory_space<hbm>>
      tpu.enqueue_dma source(%dma_start3A_117 : memref<1536x768xbf16, #tpu.memory_space<hbm>>) target(%dma_start3A_113 : memref<1536x768xbf16, #tpu.memory_space<vmem>>) target_semaphore(%dma_start3A_109 : memref<!tpu.dma_semaphore, #tpu.memory_space<semaphore_mem>>)
      %mul3A_118 = arith.constant 4 : i32
      %mul3A_119 = arith.muli %arg0, %mul3A_118 : i32
      %add3A_120 = arith.constant 3 : i32
      %add3A_121 = arith.addi %mul3A_119, %add3A_120 : i32
      %dma_start3A_122 = arith.constant 3 : i32
      %dma_start3A_123 = arith.constant 3 : i32
      %dma_start3A_124 = tpu.memref_slice %arg12[%dma_start3A_123] : memref<4x!tpu.dma_semaphore, #tpu.memory_space<semaphore_mem>> -> memref<1x!tpu.dma_semaphore, #tpu.memory_space<semaphore_mem>>
      %dma_start3A_125 = tpu.memref_squeeze %dma_start3A_124 : memref<1x!tpu.dma_semaphore, #tpu.memory_space<semaphore_mem>> -> memref<!tpu.dma_semaphore, #tpu.memory_space<semaphore_mem>>
      %dma_start3A_126 = arith.constant 0 : i32
      %dma_start3A_127 = arith.constant 0 : i32
      %dma_start3A_128 = tpu.memref_slice %arg10[%dma_start3A_122, %dma_start3A_126, %dma_start3A_127] : memref<4x768x3072xbf16, #tpu.memory_space<vmem>> -> memref<1x768x3072xbf16, #tpu.memory_space<vmem>>
      %dma_start3A_129 = tpu.memref_squeeze %dma_start3A_128 : memref<1x768x3072xbf16, #tpu.memory_space<vmem>> -> memref<768x3072xbf16, #tpu.memory_space<vmem>>
      %dma_start3A_130 = arith.constant 0 : i32
      %dma_start3A_131 = arith.constant 0 : i32
      %dma_start3A_132 = tpu.memref_slice %arg5[%add3A_121, %dma_start3A_130, %dma_start3A_131] : memref<8x768x3072xbf16, #tpu.memory_space<hbm>> -> memref<1x768x3072xbf16, #tpu.memory_space<hbm>>
      %dma_start3A_133 = tpu.memref_squeeze %dma_start3A_132 : memref<1x768x3072xbf16, #tpu.memory_space<hbm>> -> memref<768x3072xbf16, #tpu.memory_space<hbm>>
      tpu.enqueue_dma source(%dma_start3A_133 : memref<768x3072xbf16, #tpu.memory_space<hbm>>) target(%dma_start3A_129 : memref<768x3072xbf16, #tpu.memory_space<vmem>>) target_semaphore(%dma_start3A_125 : memref<!tpu.dma_semaphore, #tpu.memory_space<semaphore_mem>>)
      %dma_start3A_134 = arith.constant 3 : i32
      %dma_start3A_135 = arith.constant 3 : i32
      %dma_start3A_136 = tpu.memref_slice %arg13[%dma_start3A_135] : memref<4x!tpu.dma_semaphore, #tpu.memory_space<semaphore_mem>> -> memref<1x!tpu.dma_semaphore, #tpu.memory_space<semaphore_mem>>
      %dma_start3A_137 = tpu.memref_squeeze %dma_start3A_136 : memref<1x!tpu.dma_semaphore, #tpu.memory_space<semaphore_mem>> -> memref<!tpu.dma_semaphore, #tpu.memory_space<semaphore_mem>>
      %dma_start3A_138 = arith.constant 0 : i32
      %dma_start3A_139 = arith.constant 0 : i32
      %dma_start3A_140 = tpu.memref_slice %arg11[%dma_start3A_134, %dma_start3A_138, %dma_start3A_139] : memref<4x1536x768xbf16, #tpu.memory_space<vmem>> -> memref<1x1536x768xbf16, #tpu.memory_space<vmem>>
      %dma_start3A_141 = tpu.memref_squeeze %dma_start3A_140 : memref<1x1536x768xbf16, #tpu.memory_space<vmem>> -> memref<1536x768xbf16, #tpu.memory_space<vmem>>
      %dma_start3A_142 = arith.constant 0 : i32
      %dma_start3A_143 = arith.constant 0 : i32
      %dma_start3A_144 = tpu.memref_slice %arg7[%add3A_121, %dma_start3A_142, %dma_start3A_143] : memref<8x1536x768xbf16, #tpu.memory_space<hbm>> -> memref<1x1536x768xbf16, #tpu.memory_space<hbm>>
      %dma_start3A_145 = tpu.memref_squeeze %dma_start3A_144 : memref<1x1536x768xbf16, #tpu.memory_space<hbm>> -> memref<1536x768xbf16, #tpu.memory_space<hbm>>
      tpu.enqueue_dma source(%dma_start3A_145 : memref<1536x768xbf16, #tpu.memory_space<hbm>>) target(%dma_start3A_141 : memref<1536x768xbf16, #tpu.memory_space<vmem>>) target_semaphore(%dma_start3A_137 : memref<!tpu.dma_semaphore, #tpu.memory_space<semaphore_mem>>)
    } else {
    }
    %eq3A_5 = arith.constant 0 : i32
    %eq3A_6 = arith.cmpi eq, %arg2, %eq3A_5 : i32
    %convert_element_type3A_7 = arith.extui %eq3A_6 : i1 to i32
    %cond3A_8 = arith.constant 0 : i32
    %cond3A_9 = arith.cmpi ne, %convert_element_type3A_7, %cond3A_8 : i32
    scf.if %cond3A_9 {
      %dma_wait3A = tpu.memref_slice %arg12[%arg1] : memref<4x!tpu.dma_semaphore, #tpu.memory_space<semaphore_mem>> -> memref<1x!tpu.dma_semaphore, #tpu.memory_space<semaphore_mem>>
      %dma_wait3A_35 = tpu.memref_squeeze %dma_wait3A : memref<1x!tpu.dma_semaphore, #tpu.memory_space<semaphore_mem>> -> memref<!tpu.dma_semaphore, #tpu.memory_space<semaphore_mem>>
      %dma_wait3A_36 = arith.constant 0 : i32
      %dma_wait3A_37 = arith.constant 0 : i32
      %dma_wait3A_38 = tpu.memref_slice %arg10[%arg1, %dma_wait3A_36, %dma_wait3A_37] : memref<4x768x3072xbf16, #tpu.memory_space<vmem>> -> memref<1x768x3072xbf16, #tpu.memory_space<vmem>>
      %dma_wait3A_39 = tpu.memref_squeeze %dma_wait3A_38 : memref<1x768x3072xbf16, #tpu.memory_space<vmem>> -> memref<768x3072xbf16, #tpu.memory_space<vmem>>
      %dma_wait3A_40 = arith.constant 0 : i32
      %dma_wait3A_41 = arith.constant 0 : i32
      %dma_wait3A_42 = tpu.memref_slice %arg5[%add3A, %dma_wait3A_40, %dma_wait3A_41] : memref<8x768x3072xbf16, #tpu.memory_space<hbm>> -> memref<1x768x3072xbf16, #tpu.memory_space<hbm>>
      %dma_wait3A_43 = tpu.memref_squeeze %dma_wait3A_42 : memref<1x768x3072xbf16, #tpu.memory_space<hbm>> -> memref<768x3072xbf16, #tpu.memory_space<hbm>>
      tpu.wait_dma2 semaphore(%dma_wait3A_35 : memref<!tpu.dma_semaphore, #tpu.memory_space<semaphore_mem>>) src(%dma_wait3A_43 : memref<768x3072xbf16, #tpu.memory_space<hbm>>) dst(%dma_wait3A_39 : memref<768x3072xbf16, #tpu.memory_space<vmem>>)
      %dma_wait3A_44 = tpu.memref_slice %arg13[%arg1] : memref<4x!tpu.dma_semaphore, #tpu.memory_space<semaphore_mem>> -> memref<1x!tpu.dma_semaphore, #tpu.memory_space<semaphore_mem>>
      %dma_wait3A_45 = tpu.memref_squeeze %dma_wait3A_44 : memref<1x!tpu.dma_semaphore, #tpu.memory_space<semaphore_mem>> -> memref<!tpu.dma_semaphore, #tpu.memory_space<semaphore_mem>>
      %dma_wait3A_46 = arith.constant 0 : i32
      %dma_wait3A_47 = arith.constant 0 : i32
      %dma_wait3A_48 = tpu.memref_slice %arg11[%arg1, %dma_wait3A_46, %dma_wait3A_47] : memref<4x1536x768xbf16, #tpu.memory_space<vmem>> -> memref<1x1536x768xbf16, #tpu.memory_space<vmem>>
      %dma_wait3A_49 = tpu.memref_squeeze %dma_wait3A_48 : memref<1x1536x768xbf16, #tpu.memory_space<vmem>> -> memref<1536x768xbf16, #tpu.memory_space<vmem>>
      %dma_wait3A_50 = arith.constant 0 : i32
      %dma_wait3A_51 = arith.constant 0 : i32
      %dma_wait3A_52 = tpu.memref_slice %arg7[%add3A, %dma_wait3A_50, %dma_wait3A_51] : memref<8x1536x768xbf16, #tpu.memory_space<hbm>> -> memref<1x1536x768xbf16, #tpu.memory_space<hbm>>
      %dma_wait3A_53 = tpu.memref_squeeze %dma_wait3A_52 : memref<1x1536x768xbf16, #tpu.memory_space<hbm>> -> memref<1536x768xbf16, #tpu.memory_space<hbm>>
      tpu.wait_dma2 semaphore(%dma_wait3A_45 : memref<!tpu.dma_semaphore, #tpu.memory_space<semaphore_mem>>) src(%dma_wait3A_53 : memref<1536x768xbf16, #tpu.memory_space<hbm>>) dst(%dma_wait3A_49 : memref<1536x768xbf16, #tpu.memory_space<vmem>>)
    } else {
    }
    %add3A_10 = arith.constant 8 : i32
    %add3A_11 = arith.addi %add3A_10, %add3A : i32
    %get3A = arith.index_cast %add3A_11 : i32 to index
    %get3A_12 = memref.load %arg3[%get3A] : memref<16xi32, #tpu.memory_space<smem>>
    %add3A_13 = arith.constant 255 : i32
    %add3A_14 = arith.addi %get3A_12, %add3A_13 : i32
    %jit3A = arith.constant 256 : i32
    %div3A = arith.divsi %add3A_14, %jit3A : i32
    %sign3A = arith.constant 0 : i32
    %sign3A_15 = arith.cmpi sgt, %add3A_14, %sign3A : i32
    %sign3A_16 = arith.extui %sign3A_15 : i1 to i32
    %sign3A_17 = arith.constant 0 : i32
    %sign3A_18 = arith.cmpi slt, %add3A_14, %sign3A_17 : i32
    %sign3A_19 = arith.extui %sign3A_18 : i1 to i32
    %sign3A_20 = arith.subi %sign3A_16, %sign3A_19 : i32
    %sign3A_21 = arith.constant 0 : i32
    %sign3A_22 = arith.cmpi sgt, %jit3A, %sign3A_21 : i32
    %sign3A_23 = arith.extui %sign3A_22 : i1 to i32
    %sign3A_24 = arith.constant 0 : i32
    %sign3A_25 = arith.cmpi slt, %jit3A, %sign3A_24 : i32
    %sign3A_26 = arith.extui %sign3A_25 : i1 to i32
    %sign3A_27 = arith.subi %sign3A_23, %sign3A_26 : i32
    %ne3A = arith.cmpi ne, %sign3A_20, %sign3A_27 : i32
    %rem3A = arith.remsi %add3A_14, %jit3A : i32
    %ne3A_28 = arith.constant 0 : i32
    %ne3A_29 = arith.cmpi ne, %rem3A, %ne3A_28 : i32
    %and3A_30 = arith.andi %ne3A, %ne3A_29 : i1
    %sub3A = arith.constant 1 : i32
    %sub3A_31 = arith.subi %div3A, %sub3A : i32
    %select_n3A = arith.select %and3A_30, %sub3A_31, %div3A : i32
    %lt3A = arith.cmpi slt, %arg2, %select_n3A : i32
    %convert_element_type3A_32 = arith.extui %lt3A : i1 to i32
    %cond3A_33 = arith.constant 0 : i32
    %cond3A_34 = arith.cmpi ne, %convert_element_type3A_32, %cond3A_33 : i32
    scf.if %cond3A_34 {
      %get3A_35 = arith.constant 0 : index
      %get3A_36 = arith.constant 0 : index
      %get3A_37 = vector.load %arg4[%get3A_35, %get3A_36] : memref<256x768xf32, #tpu.memory_space<vmem>>, vector<256x768xf32>
      %convert_element_type3A_38 = arith.truncf %get3A_37 : vector<256x768xf32> to vector<256x768xbf16>
      %get3A_39 = arith.index_cast %arg1 : i32 to index
      %get3A_40 = arith.constant 0 : index
      %get3A_41 = arith.constant 0 : index
      %get3A_42 = vector.load %arg10[%get3A_39, %get3A_40, %get3A_41] : memref<4x768x3072xbf16, #tpu.memory_space<vmem>>, vector<1x768x3072xbf16>
      %get3A_43 = vector.shape_cast %get3A_42 : vector<1x768x3072xbf16> to vector<768x3072xbf16>
      %dot_general3A = arith.constant dense<0.000000e+00> : vector<256x3072xf32>
      %dot_general3A_44 = tpu.matmul %convert_element_type3A_38, %get3A_43, %dot_general3A {dimension_numbers = #tpu.dot_dimension_numbers<[1], [0], [0], [1], [0, 0, 1, 1], [], []>, transpose_lhs_hint = false} : vector<256x768xbf16>, vector<768x3072xbf16>, vector<256x3072xf32> -> vector<256x3072xf32>
      %get3A_45 = arith.constant 0 : index
      %get3A_46 = arith.constant 0 : index
      %get3A_47 = arith.constant 0 : index
      %get3A_48 = vector.load %arg6[%get3A_45, %get3A_46, %get3A_47] : memref<1x1x3072xf32, #tpu.memory_space<vmem>>, vector<1x1x3072xf32>
      %get3A_49 = vector.shape_cast %get3A_48 : vector<1x1x3072xf32> to vector<1x3072xf32>
      %add3A_50 = vector.broadcast %get3A_49 : vector<1x3072xf32> to vector<256x3072xf32>
      %add3A_51 = arith.addf %dot_general3A_44, %add3A_50 : vector<256x3072xf32>
      %min3A = arith.constant 7.000000e+00 : f32
      %min3A_52 = vector.broadcast %min3A : f32 to vector<256x3072xf32>
      %min3A_53 = arith.minimumf %add3A_51, %min3A_52 : vector<256x3072xf32>
      %slice3A = vector.extract_strided_slice %min3A_53 {offsets = [0, 0], sizes = [256, 1536], strides = [1, 1]} : vector<256x3072xf32> to vector<256x1536xf32>
      %slice3A_54 = vector.extract_strided_slice %min3A_53 {offsets = [0, 1536], sizes = [256, 1536], strides = [1, 1]} : vector<256x3072xf32> to vector<256x1536xf32>
      %max3A = arith.constant -7.000000e+00 : f32
      %max3A_55 = vector.broadcast %max3A : f32 to vector<256x1536xf32>
      %max3A_56 = arith.maximumf %slice3A_54, %max3A_55 : vector<256x1536xf32>
      %mul3A_57 = arith.constant 1.702000e+00 : f32
      %mul3A_58 = vector.broadcast %mul3A_57 : f32 to vector<256x1536xf32>
      %mul3A_59 = arith.mulf %slice3A, %mul3A_58 : vector<256x1536xf32>
      %logistic3A = arith.negf %mul3A_59 : vector<256x1536xf32>
      %logistic3A_60 = math.exp %logistic3A : vector<256x1536xf32>
      %logistic3A_61 = arith.constant 1.000000e+00 : f32
      %logistic3A_62 = vector.broadcast %logistic3A_61 : f32 to vector<256x1536xf32>
      %logistic3A_63 = arith.addf %logistic3A_62, %logistic3A_60 : vector<256x1536xf32>
      %logistic3A_64 = arith.divf %logistic3A_62, %logistic3A_63 : vector<256x1536xf32>
      %mul3A_65 = arith.mulf %slice3A, %logistic3A_64 : vector<256x1536xf32>
      %add3A_66 = arith.constant 1.000000e+00 : f32
      %add3A_67 = vector.broadcast %add3A_66 : f32 to vector<256x1536xf32>
      %add3A_68 = arith.addf %max3A_56, %add3A_67 : vector<256x1536xf32>
      %mul3A_69 = arith.mulf %add3A_68, %mul3A_65 : vector<256x1536xf32>
      %convert_element_type3A_70 = arith.truncf %mul3A_69 : vector<256x1536xf32> to vector<256x1536xbf16>
      %get3A_71 = arith.index_cast %arg1 : i32 to index
      %get3A_72 = arith.constant 0 : index
      %get3A_73 = arith.constant 0 : index
      %get3A_74 = vector.load %arg11[%get3A_71, %get3A_72, %get3A_73] : memref<4x1536x768xbf16, #tpu.memory_space<vmem>>, vector<1x1536x768xbf16>
      %get3A_75 = vector.shape_cast %get3A_74 : vector<1x1536x768xbf16> to vector<1536x768xbf16>
      %dot_general3A_76 = arith.constant dense<0.000000e+00> : vector<256x768xf32>
      %dot_general3A_77 = tpu.matmul %convert_element_type3A_70, %get3A_75, %dot_general3A_76 {dimension_numbers = #tpu.dot_dimension_numbers<[1], [0], [0], [1], [0, 0, 1, 1], [], []>, transpose_lhs_hint = false} : vector<256x1536xbf16>, vector<1536x768xbf16>, vector<256x768xf32> -> vector<256x768xf32>
      %get3A_78 = arith.constant 0 : index
      %get3A_79 = arith.constant 0 : index
      %get3A_80 = arith.constant 0 : index
      %get3A_81 = vector.load %arg8[%get3A_78, %get3A_79, %get3A_80] : memref<1x1x768xf32, #tpu.memory_space<vmem>>, vector<1x1x768xf32>
      %get3A_82 = vector.shape_cast %get3A_81 : vector<1x1x768xf32> to vector<1x768xf32>
      %add3A_83 = vector.broadcast %get3A_82 : vector<1x768xf32> to vector<256x768xf32>
      %add3A_84 = arith.addf %dot_general3A_77, %add3A_83 : vector<256x768xf32>
      %swap3A = arith.constant 0 : index
      %swap3A_85 = arith.constant 0 : index
      %swap3A_86 = vector.load %arg9[%swap3A, %swap3A_85] : memref<256x768xf32, #tpu.memory_space<vmem>>, vector<256x768xf32>
      tpu.vector_store %arg9[%swap3A, %swap3A_85], %add3A_84 {strides = array<i32>} : memref<256x768xf32, #tpu.memory_space<vmem>>, vector<256x768xf32>,
    } else {
    }
    return
  }
  func.func @transform_0(%arg0: i32, %arg1: i32, %arg2: i32, %arg3: memref<16xi32, #tpu.memory_space<smem>>) -> (i32, i32) {
    %mul3A = arith.constant 4 : i32
    %mul3A_0 = arith.muli %arg0, %mul3A : i32
    %add3A = arith.addi %mul3A_0, %arg1 : i32
    %add3A_1 = arith.constant 8 : i32
    %add3A_2 = arith.addi %add3A_1, %add3A : i32
    %get3A = arith.index_cast %add3A_2 : i32 to index
    %get3A_3 = memref.load %arg3[%get3A] : memref<16xi32, #tpu.memory_space<smem>>
    %add3A_4 = arith.constant 255 : i32
    %add3A_5 = arith.addi %get3A_3, %add3A_4 : i32
    %jit3A = arith.constant 256 : i32
    %div3A = arith.divsi %add3A_5, %jit3A : i32
    %sign3A = arith.constant 0 : i32
    %sign3A_6 = arith.cmpi sgt, %add3A_5, %sign3A : i32
    %sign3A_7 = arith.extui %sign3A_6 : i1 to i32
    %sign3A_8 = arith.constant 0 : i32
    %sign3A_9 = arith.cmpi slt, %add3A_5, %sign3A_8 : i32
    %sign3A_10 = arith.extui %sign3A_9 : i1 to i32
    %sign3A_11 = arith.subi %sign3A_7, %sign3A_10 : i32
    %sign3A_12 = arith.constant 0 : i32
    %sign3A_13 = arith.cmpi sgt, %jit3A, %sign3A_12 : i32
    %sign3A_14 = arith.extui %sign3A_13 : i1 to i32
    %sign3A_15 = arith.constant 0 : i32
    %sign3A_16 = arith.cmpi slt, %jit3A, %sign3A_15 : i32
    %sign3A_17 = arith.extui %sign3A_16 : i1 to i32
    %sign3A_18 = arith.subi %sign3A_14, %sign3A_17 : i32
    %ne3A = arith.cmpi ne, %sign3A_11, %sign3A_18 : i32
    %rem3A = arith.remsi %add3A_5, %jit3A : i32
    %ne3A_19 = arith.constant 0 : i32
    %ne3A_20 = arith.cmpi ne, %rem3A, %ne3A_19 : i32
    %and3A = arith.andi %ne3A, %ne3A_20 : i1
    %sub3A = arith.constant 1 : i32
    %sub3A_21 = arith.subi %div3A, %sub3A : i32
    %select_n3A = arith.select %and3A, %sub3A_21, %div3A : i32
    %get3A_22 = arith.index_cast %add3A : i32 to index
    %get3A_23 = memref.load %arg3[%get3A_22] : memref<16xi32, #tpu.memory_space<smem>>
    %jit3A_24 = arith.constant 256 : i32
    %div3A_25 = arith.divsi %get3A_23, %jit3A_24 : i32
    %sign3A_26 = arith.constant 0 : i32
    %sign3A_27 = arith.cmpi sgt, %get3A_23, %sign3A_26 : i32
    %sign3A_28 = arith.extui %sign3A_27 : i1 to i32
    %sign3A_29 = arith.constant 0 : i32
    %sign3A_30 = arith.cmpi slt, %get3A_23, %sign3A_29 : i32
    %sign3A_31 = arith.extui %sign3A_30 : i1 to i32
    %sign3A_32 = arith.subi %sign3A_28, %sign3A_31 : i32
    %sign3A_33 = arith.constant 0 : i32
    %sign3A_34 = arith.cmpi sgt, %jit3A_24, %sign3A_33 : i32
    %sign3A_35 = arith.extui %sign3A_34 : i1 to i32
    %sign3A_36 = arith.constant 0 : i32
    %sign3A_37 = arith.cmpi slt, %jit3A_24, %sign3A_36 : i32
    %sign3A_38 = arith.extui %sign3A_37 : i1 to i32
    %sign3A_39 = arith.subi %sign3A_35, %sign3A_38 : i32
    %ne3A_40 = arith.cmpi ne, %sign3A_32, %sign3A_39 : i32
    %rem3A_41 = arith.remsi %get3A_23, %jit3A_24 : i32
    %ne3A_42 = arith.constant 0 : i32
    %ne3A_43 = arith.cmpi ne, %rem3A_41, %ne3A_42 : i32
    %and3A_44 = arith.andi %ne3A_40, %ne3A_43 : i1
    %sub3A_45 = arith.constant 1 : i32
    %sub3A_46 = arith.subi %div3A_25, %sub3A_45 : i32
    %select_n3A_47 = arith.select %and3A_44, %sub3A_46, %div3A_25 : i32
    %gt3A = arith.constant 0 : i32
    %gt3A_48 = arith.cmpi sgt, %select_n3A, %gt3A : i32
    %add3A_49 = arith.addi %select_n3A_47, %select_n3A : i32
    %sub3A_50 = arith.constant 1 : i32
    %sub3A_51 = arith.subi %add3A_49, %sub3A_50 : i32
    %add3A_52 = arith.constant 24 : i32
    %add3A_53 = arith.addi %add3A_52, %add3A : i32
    %select_n3A_54 = arith.select %gt3A_48, %sub3A_51, %add3A_53 : i32
    %lt3A = arith.cmpi slt, %arg2, %select_n3A : i32
    %add3A_55 = arith.addi %select_n3A_47, %arg2 : i32
    %select_n3A_56 = arith.select %lt3A, %add3A_55, %select_n3A_54 : i32
    %c0_i32 = arith.constant 0 : i32
    %c0_i32_57 = arith.constant 0 : i32
    return %select_n3A_56, %c0_i32 : i32, i32
  }
  func.func @transform_2(%arg0: i32, %arg1: i32, %arg2: i32, %arg3: memref<16xi32, #tpu.memory_space<smem>>) -> (i32, i32, i32) {
    %mul3A = arith.constant 4 : i32
    %mul3A_0 = arith.muli %arg0, %mul3A : i32
    %add3A = arith.addi %mul3A_0, %arg1 : i32
    %c0_i32 = arith.constant 0 : i32
    %c0_i32_1 = arith.constant 0 : i32
    %c0_i32_2 = arith.constant 0 : i32
    return %add3A, %c0_i32, %c0_i32_1 : i32, i32, i32
  }
  func.func @transform_4(%arg0: i32, %arg1: i32, %arg2: i32, %arg3: memref<16xi32, #tpu.memory_space<smem>>) -> (i32, i32, i32) {
    %mul3A = arith.constant 4 : i32
    %mul3A_0 = arith.muli %arg0, %mul3A : i32
    %add3A = arith.addi %mul3A_0, %arg1 : i32
    %c0_i32 = arith.constant 0 : i32
    %c0_i32_1 = arith.constant 0 : i32
    %c0_i32_2 = arith.constant 0 : i32
    return %add3A, %c0_i32, %c0_i32_1 : i32, i32, i32
  }
  func.func @transform_5(%arg0: i32, %arg1: i32, %arg2: i32, %arg3: memref<16xi32, #tpu.memory_space<smem>>) -> (i32, i32) {
    %mul3A = arith.constant 4 : i32
    %mul3A_0 = arith.muli %arg0, %mul3A : i32
    %add3A = arith.addi %mul3A_0, %arg1 : i32
    %add3A_1 = arith.constant 8 : i32
    %add3A_2 = arith.addi %add3A_1, %add3A : i32
    %get3A = arith.index_cast %add3A_2 : i32 to index
    %get3A_3 = memref.load %arg3[%get3A] : memref<16xi32, #tpu.memory_space<smem>>
    %add3A_4 = arith.constant 255 : i32
    %add3A_5 = arith.addi %get3A_3, %add3A_4 : i32
    %jit3A = arith.constant 256 : i32
    %div3A = arith.divsi %add3A_5, %jit3A : i32
    %sign3A = arith.constant 0 : i32
    %sign3A_6 = arith.cmpi sgt, %add3A_5, %sign3A : i32
    %sign3A_7 = arith.extui %sign3A_6 : i1 to i32
    %sign3A_8 = arith.constant 0 : i32
    %sign3A_9 = arith.cmpi slt, %add3A_5, %sign3A_8 : i32
    %sign3A_10 = arith.extui %sign3A_9 : i1 to i32
    %sign3A_11 = arith.subi %sign3A_7, %sign3A_10 : i32
    %sign3A_12 = arith.constant 0 : i32
    %sign3A_13 = arith.cmpi sgt, %jit3A, %sign3A_12 : i32
    %sign3A_14 = arith.extui %sign3A_13 : i1 to i32
    %sign3A_15 = arith.constant 0 : i32
    %sign3A_16 = arith.cmpi slt, %jit3A, %sign3A_15 : i32
    %sign3A_17 = arith.extui %sign3A_16 : i1 to i32
    %sign3A_18 = arith.subi %sign3A_14, %sign3A_17 : i32
    %ne3A = arith.cmpi ne, %sign3A_11, %sign3A_18 : i32
    %rem3A = arith.remsi %add3A_5, %jit3A : i32
    %ne3A_19 = arith.constant 0 : i32
    %ne3A_20 = arith.cmpi ne, %rem3A, %ne3A_19 : i32
    %and3A = arith.andi %ne3A, %ne3A_20 : i1
    %sub3A = arith.constant 1 : i32
    %sub3A_21 = arith.subi %div3A, %sub3A : i32
    %select_n3A = arith.select %and3A, %sub3A_21, %div3A : i32
    %get3A_22 = arith.index_cast %add3A : i32 to index
    %get3A_23 = memref.load %arg3[%get3A_22] : memref<16xi32, #tpu.memory_space<smem>>
    %jit3A_24 = arith.constant 256 : i32
    %div3A_25 = arith.divsi %get3A_23, %jit3A_24 : i32
    %sign3A_26 = arith.constant 0 : i32
    %sign3A_27 = arith.cmpi sgt, %get3A_23, %sign3A_26 : i32
    %sign3A_28 = arith.extui %sign3A_27 : i1 to i32
    %sign3A_29 = arith.constant 0 : i32
    %sign3A_30 = arith.cmpi slt, %get3A_23, %sign3A_29 : i32
    %sign3A_31 = arith.extui %sign3A_30 : i1 to i32
    %sign3A_32 = arith.subi %sign3A_28, %sign3A_31 : i32
    %sign3A_33 = arith.constant 0 : i32
    %sign3A_34 = arith.cmpi sgt, %jit3A_24, %sign3A_33 : i32
    %sign3A_35 = arith.extui %sign3A_34 : i1 to i32
    %sign3A_36 = arith.constant 0 : i32
    %sign3A_37 = arith.cmpi slt, %jit3A_24, %sign3A_36 : i32
    %sign3A_38 = arith.extui %sign3A_37 : i1 to i32
    %sign3A_39 = arith.subi %sign3A_35, %sign3A_38 : i32
    %ne3A_40 = arith.cmpi ne, %sign3A_32, %sign3A_39 : i32
    %rem3A_41 = arith.remsi %get3A_23, %jit3A_24 : i32
    %ne3A_42 = arith.constant 0 : i32
    %ne3A_43 = arith.cmpi ne, %rem3A_41, %ne3A_42 : i32
    %and3A_44 = arith.andi %ne3A_40, %ne3A_43 : i1
    %sub3A_45 = arith.constant 1 : i32
    %sub3A_46 = arith.subi %div3A_25, %sub3A_45 : i32
    %select_n3A_47 = arith.select %and3A_44, %sub3A_46, %div3A_25 : i32
    %gt3A = arith.constant 0 : i32
    %gt3A_48 = arith.cmpi sgt, %select_n3A, %gt3A : i32
    %add3A_49 = arith.addi %select_n3A_47, %select_n3A : i32
    %sub3A_50 = arith.constant 1 : i32
    %sub3A_51 = arith.subi %add3A_49, %sub3A_50 : i32
    %add3A_52 = arith.constant 24 : i32
    %add3A_53 = arith.addi %add3A_52, %add3A : i32
    %select_n3A_54 = arith.select %gt3A_48, %sub3A_51, %add3A_53 : i32
    %lt3A = arith.cmpi slt, %arg2, %select_n3A : i32
    %add3A_55 = arith.addi %select_n3A_47, %arg2 : i32
    %select_n3A_56 = arith.select %lt3A, %add3A_55, %select_n3A_54 : i32
    %c0_i32 = arith.constant 0 : i32
    %c0_i32_57 = arith.constant 0 : i32
    return %select_n3A_56, %c0_i32 : i32, i32
  }
}

module attributes {stable_mosaic.version = 14 : i64} {
  func.func @_combine_kernel(%arg0: i32, %arg1: memref<512x768xf32, #tpu.memory_space<vmem>>, %arg2: memref<512x768xf32, #tpu.memory_space<vmem>>, %arg3: memref<512x1xf32, #tpu.memory_space<vmem>>, %arg4: memref<512x1xf32, #tpu.memory_space<vmem>>, %arg5: memref<512x768xf32, #tpu.memory_space<vmem>>) attributes {dimension_semantics = [#tpu.dimension_semantics<parallel>], iteration_bounds = array<i64: 4>, scalar_prefetch = 0 : i64, scratch_operands = 0 : i64, tpu.core_type = #tpu.core_type<tc>, window_params = [{transform_indices = @transform_0, window_bounds = array<i64: 512, 768>}, {transform_indices = @transform_1, window_bounds = array<i64: 512, 768>}, {transform_indices = @transform_2, window_bounds = array<i64: 512, 1>}, {transform_indices = @transform_3, window_bounds = array<i64: 512, 1>}, {transform_indices = @transform_4, window_bounds = array<i64: 512, 768>}]} {
    %get3A = arith.constant 0 : index
    %get3A_0 = arith.constant 0 : index
    %get3A_1 = vector.load %arg3[%get3A, %get3A_0] : memref<512x1xf32, #tpu.memory_space<vmem>>, vector<512x1xf32>
    %get3A_2 = arith.constant 0 : index
    %get3A_3 = arith.constant 0 : index
    %get3A_4 = vector.load %arg1[%get3A_2, %get3A_3] : memref<512x768xf32, #tpu.memory_space<vmem>>, vector<512x768xf32>
    %mul3A = vector.broadcast %get3A_1 : vector<512x1xf32> to vector<512x768xf32>
    %mul3A_5 = arith.mulf %mul3A, %get3A_4 : vector<512x768xf32>
    %get3A_6 = arith.constant 0 : index
    %get3A_7 = arith.constant 0 : index
    %get3A_8 = vector.load %arg4[%get3A_6, %get3A_7] : memref<512x1xf32, #tpu.memory_space<vmem>>, vector<512x1xf32>
    %get3A_9 = arith.constant 0 : index
    %get3A_10 = arith.constant 0 : index
    %get3A_11 = vector.load %arg2[%get3A_9, %get3A_10] : memref<512x768xf32, #tpu.memory_space<vmem>>, vector<512x768xf32>
    %mul3A_12 = vector.broadcast %get3A_8 : vector<512x1xf32> to vector<512x768xf32>
    %mul3A_13 = arith.mulf %mul3A_12, %get3A_11 : vector<512x768xf32>
    %add3A = arith.addf %mul3A_5, %mul3A_13 : vector<512x768xf32>
    %swap3A = arith.constant 0 : index
    %swap3A_14 = arith.constant 0 : index
    %swap3A_15 = vector.load %arg5[%swap3A, %swap3A_14] : memref<512x768xf32, #tpu.memory_space<vmem>>, vector<512x768xf32>
    tpu.vector_store %arg5[%swap3A, %swap3A_14], %add3A {strides = array<i32>} : memref<512x768xf32, #tpu.memory_space<vmem>>, vector<512x768xf32>,
    return
  }
  func.func @transform_0(%arg0: i32) -> (i32, i32) {
    %c0_i32 = arith.constant 0 : i32
    %c0_i32_0 = arith.constant 0 : i32
    return %arg0, %c0_i32 : i32, i32
  }
  func.func @transform_1(%arg0: i32) -> (i32, i32) {
    %add3A = arith.constant 4 : i32
    %add3A_0 = arith.addi %arg0, %add3A : i32
    %c0_i32 = arith.constant 0 : i32
    %c0_i32_1 = arith.constant 0 : i32
    return %add3A_0, %c0_i32 : i32, i32
  }
  func.func @transform_2(%arg0: i32) -> (i32, i32) {
    %c0_i32 = arith.constant 0 : i32
    %c0_i32_0 = arith.constant 0 : i32
    return %arg0, %c0_i32 : i32, i32
  }
  func.func @transform_3(%arg0: i32) -> (i32, i32) {
    %c0_i32 = arith.constant 0 : i32
    %c0_i32_0 = arith.constant 0 : i32
    return %arg0, %c0_i32 : i32, i32
  }
  func.func @transform_4(%arg0: i32) -> (i32, i32) {
    %c0_i32 = arith.constant 0 : i32
    %c0_i32_0 = arith.constant 0 : i32
    return %arg0, %c0_i32 : i32, i32
  }
}

</mosaic_0001>

<sc_bundles>
// kernel: kernel.10.cloned.1.call-start
scs
__scs_entry_jumppad:
0x0: {  	(pc) =	sbr.rel $0x88, $3  }
0x1: {  	(tag) =	ssettag $0x0;
	lr =	simm.s32 $0x1  }
0x2: {  	[smem:$0x3F9A] =	sst lr;
	_ =	strace $0xD0000000  }
0x3: {  	_ = 	snop  }
0x4: {  	_ = 	snop  }
0x5: {  	_ = 	snop  }
0x6: {  	_ = 	snop  }
0x7: {  	_ = 	snop  }
__scs_overlays_trampoline_lowered:
0x8: {  	[smem:$0x3FA9] =	sst s0  }
0x9: {  	[smem:$0x3FAA] =	sst s1  }
0xa: {  	[smem:$0x3FAB] =	sst s2  }
0xb: {  	[smem:$0x3FAC] =	sst s3  }
0xc: {  	[smem:$0x3FAD] =	sst s4  }
0xd: {  	[smem:$0x3FAE] =	sst s5  }
0xe: {  	[smem:$0x3FAF] =	sst s6  }
0xf: {  	[smem:$0x3FB0] =	sst s7  }
0x10: {  	[smem:$0x3FB1] =	sst s8  }
0x11: {  	[smem:$0x3FB2] =	sst s9;
	s0 =	simm.s32 @!p0 $0x0  }
0x12: {  	s1 =	sld [smem:$0x3F98];
	s0 =	simm.s32 @p0 $0x1  }
0x13: {  	[smem:$0x3FB3] =	sst s0;
	s0 =	simm.s32 @!p1 $0x0  }
0x14: {  	s2 =	sld [smem:$0x3F97];
	s0 =	simm.s32 @p1 $0x1  }
0x15: {  	[smem:$0x3FB4] =	sst s0;
	s0 =	simm.s32 @!p2 $0x0  }
0x16: {  	s3 =	sld [smem:$0x3FDB];
	s0 =	simm.s32 @p2 $0x1  }
0x17: {  	s4 =	simm.s32 $0x1BF5;
	[smem:$0x3FB6] =	sst s0  }
0x18: {  	s0 =	sld [smem:$0x3F99];
	_ =	swait.ge [sflag:s4], $0x0  }
0x19: {  	s7 =	sld [smem:$0x3F9A]  }
0x1a: {  	s8 =	sadd.s32 $0xFFFFE003, lr  }
0x1b: {  	s9 =	sadd.s32 $0xFFFFFEF7, lr;
	s5 =	simm.s32 $0xFFFFFFFF;
	p2 =	slt.u32 s8, $0xFFFFF086  }
0x1c: {  	p1 =	slt.u32 s9, $0xF7A;
	s5 =	simm.s32 @!p2 $0x0  }
0x1d: {  	s5 =	simm.s32 @p1 $0x1;
	p0 =	seq.s32 s7, s2  }
0x1e: {  	s7 =	smul.u32 @!p0 $0xF7A, s2;
	p2 =	seq.s32 @!p0 s5, $0x0  }
0x1f: {  	s9 =	smul.u32 $0xF7A, s1;
	s8 =	simm.s32 @!p0 $0x1BF5;
	p2 =	por !p2, p0  }
0x20: {  	[sflag:s8] =	ssyncset.s32 @!p0 $0xFFFFF086;
	s6 =	sadd.s32 @!p0 s3, s7;
	s7 =	simm.s32 @!p0 $0x108  }
0x21: {  	s3 =	sadd.s32 s3, s9;
	s6 =	sadd.s32 @!p0 $0x88, s6;
	s7 =	simm.s32 @p2 $0x1082  }
0x22: {  	[simem:s7], [sflag:s8] =	dma.local @!p0 [hbm:s6], $0xF7A  }
0x23: {  	s9 =	sor.u32 $0xD0000000, s2;
	s6 =	simm.s32 $0x108;
	_ =	swait.ge @!p0 [sflag:s8], $0x0  }
0x24: {  	s3 =	sadd.s32 $0x88, s3;
	s6 =	simm.s32 @!p1 $0x1082;
	[sflag:s4] =	ssyncset.s32 $0xFFFFF086  }
0x25: {  	[simem:s6], [sflag:s4] =	dma.local [hbm:s3], $0xF7A  }
0x26: {  	[smem:$0x3F9A] =	sst s1;
	(tag) =	ssettag s2;
	_ =	strace s9  }
0x27: {  	s1 =	sld [smem:$0x3FAA]  }
0x28: {  	s2 =	sld [smem:$0x3FAB]  }
0x29: {  	s4 =	sld [smem:$0x3FAD]  }
0x2a: {  	p0 =	seq.s32 s5, $0x0;
	s5 =	sld [smem:$0x3FAE]  }
0x2b: {  	s6 =	sld [smem:$0x3FAF]  }
0x2c: {  	s7 =	sld [smem:$0x3FB0]  }
0x2d: {  	s3 =	simm.s32 $0x108;
	s8 =	sld [smem:$0x3FB1]  }
0x2e: {  	s3 =	simm.s32 @!p0 $0x1082;
	s9 =	sld [smem:$0x3FB2]  }
0x2f: {  	lr =	sadd.s32 s0, s3;
	s0 =	sld [smem:$0x3FA9]  }
0x30: {  	s3 =	sld [smem:$0x3FAC]  }
0x31: {  	[smem:$0x3FB5] =	sst s10  }
0x32: {  	s10 =	sld [smem:$0x3FB3];
	_ =	sdelay $0x3  }
0x33: {  	p0 =	seq.s32 s10, $0x1;
	s10 =	sld [smem:$0x3FB5];
	_ =	sdelay $0x3  }
0x34: {  	[smem:$0x3FB5] =	sst s10  }
0x35: {  	s10 =	sld [smem:$0x3FB4];
	_ =	sdelay $0x3  }
0x36: {  	p1 =	seq.s32 s10, $0x1;
	s10 =	sld [smem:$0x3FB5];
	_ =	sdelay $0x3  }
0x37: {  	[smem:$0x3FB5] =	sst s10  }
0x38: {  	s10 =	sld [smem:$0x3FB6]  }
0x39: {  	_ = 	snop;
	(pc) =	sbr.ind lr, $3  }
0x3a: {  	_ = 	snop  }
0x3b: {  	_ = 	snop  }
0x3c: {  	p2 =	seq.s32 s10, $0x1;
	s10 =	sld [smem:$0x3FB5]  }
0x3d: {  	_ =	shalt  }
0x3e: {  	_ =	shalt  }
0x3f: {  	_ =	shalt  }
0x40: {  	_ =	shalt  }
0x41: {  	_ =	shalt  }
0x42: {  	_ =	shalt  }
0x43: {  	_ =	shalt  }
0x44: {  	_ =	shalt  }
0x45: {  	_ =	shalt  }
0x46: {  	_ =	shalt  }
0x47: {  	_ =	shalt  }
0x48: {  	_ =	shalt  }
0x49: {  	_ =	shalt  }
0x4a: {  	_ =	shalt  }
0x4b: {  	_ =	shalt  }
0x4c: {  	_ =	shalt  }
0x4d: {  	_ =	shalt  }
0x4e: {  	_ =	shalt  }
0x4f: {  	_ =	shalt  }
0x50: {  	_ =	shalt  }
0x51: {  	_ =	shalt  }
0x52: {  	_ =	shalt  }
0x53: {  	_ =	shalt  }
0x54: {  	_ =	shalt  }
0x55: {  	_ =	shalt  }
0x56: {  	_ =	shalt  }
0x57: {  	_ =	shalt  }
0x58: {  	_ =	shalt  }
0x59: {  	_ =	shalt  }
0x5a: {  	_ =	shalt  }
0x5b: {  	_ =	shalt  }
0x5c: {  	_ =	shalt  }
0x5d: {  	_ =	shalt  }
0x5e: {  	_ =	shalt  }
0x5f: {  	_ =	shalt  }
0x60: {  	_ =	shalt  }
0x61: {  	_ =	shalt  }
0x62: {  	_ =	shalt  }
0x63: {  	_ =	shalt  }
0x64: {  	_ =	shalt  }
0x65: {  	_ =	shalt  }
0x66: {  	_ =	shalt  }
0x67: {  	_ =	shalt  }
0x68: {  	_ =	shalt  }
0x69: {  	_ =	shalt  }
0x6a: {  	_ =	shalt  }
0x6b: {  	_ =	shalt  }
0x6c: {  	_ =	shalt  }
0x6d: {  	_ =	shalt  }
0x6e: {  	_ =	shalt  }
0x6f: {  	_ =	shalt  }
0x70: {  	_ =	shalt  }
0x71: {  	_ =	shalt  }
0x72: {  	_ =	shalt  }
0x73: {  	_ =	shalt  }
0x74: {  	_ =	shalt  }
0x75: {  	_ =	shalt  }
0x76: {  	_ =	shalt  }
0x77: {  	_ =	shalt  }
0x78: {  	_ =	shalt  }
0x79: {  	_ =	shalt  }
0x7a: {  	_ =	shalt  }
0x7b: {  	_ =	shalt  }
0x7c: {  	_ =	shalt  }
0x7d: {  	_ =	shalt  }
0x7e: {  	_ =	shalt  }
0x7f: {  	_ =	shalt  }
0x80: {  	_ =	shalt  }
0x81: {  	_ =	shalt  }
0x82: {  	_ =	shalt  }
0x83: {  	_ =	shalt  }
0x84: {  	_ =	shalt  }
0x85: {  	_ =	shalt  }
0x86: {  	_ =	shalt  }
0x87: {  	_ =	shalt  }
.Lfunc_end0:
.L_simem_size_0:
called_computation.1_lowered:
.L_overlay_start_0:
0x88: {  	s2 =	sld [smem:$0x3FD9]  }
0x89: {  	s3 =	sld [smem:$0x3FFE];
	_ =	sdelay $0x1  }
0x8a: {  	s1 =	srdreg.scid  }
0x8b: {  	s0 =	sand.u32 $0x1, s1  }
0x8c: {  	s14 =	sshll.u32 s0, $0xA;
	s2 =	sadd.s32 s3, s2  }
0x8d: {  	s2 =	sadd.s32 s2, s14  }
0x8e: {  	[smem:$0x3FC1] =	sst s2  }
0x8f: {  	_ = 	snop  }
0x90: {  	s2 =	sld [smem:$0x3FD0];
	_ =	sdelay $0x2  }
0x91: {  	s15 =	simm.s32 $0xA;
	s4 =	simm.s32 $0x10  }
0x92: {  	[smem:s4], [sflag:s15] =	dma.local [hbm:s2], $0x1  }
0x93: {  	_ =	swait.eq [sflag:s15], $0x1  }
0x94: {  	[sflag:s15] =	ssyncset.done $0x0  }
0x95: {  	[sflag:s15] =	ssyncadd.s32 $0xFFFFFFFF  }
0x96: {  	s16 =	sld [smem:$0x10];
	(tm) =	ssettm $0x1  }
0x97: {  	s17 =	sld [smem:$0x3FFB];
	_ =	sdelay $0x3  }
0x98: {  	_ =	strace s17  }
0x99: {  	s3 =	sld [smem:$0x3FFC];
	_ =	sdelay $0x3  }
0x9a: {  	_ =	strace s3  }
0x9b: {  	s3 =	sld [smem:$0x3FFD];
	_ =	sdelay $0x3  }
0x9c: {  	_ =	strace s3  }
0x9d: {  	_ =	strace $0x8FFFFFFF  }
0x9e: {  	s18 =	sld [smem:$0x3FDB];
	_ =	sdelay $0x1  }
0x9f: {  	s19 =	simm.s32 $_scs_section_size  }
0xa0: {  	s5 =	simm.s32 $_size__tile_overlayer_lowered;
	s6 =	simm.s32 $_tile_overlayer_lowered  }
0xa1: {  	s22 =	simm.s32 $0x1BFF;
	s21 =	sshll.u32 s6, $0x1;
	s3 =	sadd.s32 s19, s18  }
0xa2: {  	s7 =	simm.s32 $0x0;
	s20 =	sshll.u32 s5, $0x1;
	s5 =	sadd.s32 s21, s3  }
0xa3: {  	[timem:s7], [sflag:s22] =	dma.local [hbm:s5], s20  }
0xa4: {  	_ =	swait.ge [sflag:s22], s20  }
0xa5: {  	s4 =	ssub.s32 $0x0, s20;
	[sflag:s22] =	ssyncset.done $0x0  }
0xa6: {  	[sflag:s22] =	ssyncadd.s32 s4;
	_ =	sdelay $0x1  }
0xa7: {  	s23 =	simm.s32 $0x1B8B  }
0xa8: {  	_ =	swait.ge [sflag:s23], $0x1  }
0xa9: {  	[sflag:s23] =	ssyncset.done $0x0  }
0xaa: {  	s25 =	simm.s32 $0x1B8E;
	s24 =	sld [smem:$0x3FFE];
	[sflag:s23] =	ssyncadd.s32 $0xFFFFFFFF  }
0xab: {  	s26 =	simm.s32 $execute0_lowered;
	[smem:$0x3FD2] =	sst s25  }
0xac: {  	s5 =	sshll.u32 s26, $0x1;
	_ =	strace $0x80000049;
	[dreg:$0x1] =	wrdreg $0xFFFFFFFF  }
0xad: {  	s28 =	simm.s32 $_size_execute0_lowered;
	s3 =	sadd.s32 s3, s5;
	[dreg:$0x0] =	wrdreg $0x0  }
0xae: {  	s5 =	sshll.u32 s28, $0x1;
	[dreg:$0x2] =	wrdreg s3  }
0xaf: {  	[dreg:$0x3] =	wrdreg s5  }
0xb0: {  	[dreg:$0x4] =	wrdreg $0xC0  }
0xb1: {  	_ =	task [dreg:s7], $0x5FFFF  }
0xb2: {  	[dreg:$0x1] =	wrdreg $0xFFFFFFFF  }
0xb3: {  	[dreg:$0x0] =	wrdreg $0x60  }
0xb4: {  	[dreg:$0x2] =	wrdreg s24  }
0xb5: {  	[dreg:$0x3] =	wrdreg s16  }
0xb6: {  	[dreg:$0x4] =	wrdreg $0x9  }
0xb7: {  	_ =	task.clear_ibuf [dreg:s7], $0x5FFFF;
	_ =	strace $0x90000049  }
0xb8: {  	s29 =	simm.s32 $0x9;
	_ =	strace $0x8000004B  }
0xb9: {  	_ =	swait.ge [sflag:s29], $0x1  }
0xba: {  	[sflag:s29] =	ssyncadd.s32 $0xFFFFFFFF  }
0xbb: {  	_ =	strace $0x9000004B  }
0xbc: {  	_ =	sfence  }
0xbd: {  	s30 =	sld [smem:$0x0];
	_ =	sdelay $0x2  }
0xbe: {  	s31 =	sshll.u32 s1, $0xD;
	s1 =	sshrl.u32 s1, $0x2  }
0xbf: {  	s3 =	sand.u32 $0x4000, s31;
	s1 =	sadd.s32 s1, s30  }
0xc0: {  	s0 =	sor.u32 s3, s0;
	s1 =	sshll.u32 s1, $0x11  }
0xc1: {  	s0 =	sor.u32 s1, s0  }
0xc2: {  	s0 =	sadd.s32 $0x8F2B, s0  }
0xc3: {  	[sflag:s0] =	ssyncadd.remote.s32 $0x1  }
0xc4: {  	_ =	sfence.sel $0xFFFF  }
0xc5: {  	[dreg:$0x0] =	wrdreg $0xFFFFFFFF;
	(pc) =	sbr.abs _section_cstart, $3  }
0xc6: {  	[dreg:$0x1] =	wrdreg $0xFFFFFFFF  }
0xc7: {  	_ =	task.clear_ibuf [dreg:s7], $0x2FFFF;
	_ =	strace $0x9FFFFFFF  }
0xc8: {  	(tm) =	ssettm $0x7FFFFFFF  }
0xc9: {  	_ =	shalt  }
tec
execute0_lowered:
.L_overlay_start_1:
0x0: {  	(tag) =	ssettag $0x1  }
0x1: {  	s1 =	srdreg.scid  }
0x2: {  	s0 =	stileid.u32;
	s1 =	sand.u32 $0x1, s1  }
0x3: {  	s5 =	rddreg [dreg:$0x0];
	s2 =	sshll.u32 s0, $0x5;
	s3 =	sshll.u32 s1, $0x4  }
0x4: {  	s4 =	rddreg [dreg:$0x1];
	s3 =	sor.u32 s3, s2;
	s2 =	simm.s32 $0x0  }
0x5: {  	s6 =	smul.u32 $0x300, s3;
	[smem:$0x7FF] =	sst s2;
	s3 =	sadd.s32 s4, s3  }
0x6: {  	s25 =	simm.s32 $0x880;
	_ =	strace $0x8000004A;
	[dreg:$0x3] =	wrdreg s3  }
0x7: {  	s26 =	simm.s32 $0x1080;
	[dreg:$0x5] =	wrdreg s25  }
0x8: {  	s0 =	simm.s32 $0x1880;
	[dreg:$0x6] =	wrdreg s26  }
0x9: {  	s4 =	simm.s32 $0x2080;
	[dreg:$0x7] =	wrdreg s0  }
0xa: {  	s7 =	simm.s32 $0x3080;
	[dreg:$0x8] =	wrdreg s4  }
0xb: {  	s8 =	simm.s32 $0x3880;
	[dreg:$0xa] =	wrdreg s7  }
0xc: {  	s9 =	simm.s32 $0x4080;
	[dreg:$0xb] =	wrdreg s8  }
0xd: {  	s10 =	simm.s32 $0x4880;
	[dreg:$0xc] =	wrdreg s9  }
0xe: {  	s11 =	simm.s32 $0x5080;
	[dreg:$0xd] =	wrdreg s10  }
0xf: {  	s12 =	simm.s32 $0x5880;
	[dreg:$0xe] =	wrdreg s11  }
0x10: {  	s13 =	simm.s32 $0x6080;
	[dreg:$0xf] =	wrdreg s12  }
0x11: {  	s14 =	simm.s32 $0x6880;
	s15 =	simm.s32 $0x7080;
	[dreg:$0x10] =	wrdreg s13  }
0x12: {  	s16 =	simm.s32 $0x7880;
	s17 =	simm.s32 $0x8080;
	[dreg:$0x11] =	wrdreg s14  }
0x13: {  	s18 =	simm.s32 $0x8880;
	s19 =	simm.s32 $0x9080;
	[dreg:$0x12] =	wrdreg s15  }
0x14: {  	s21 =	simm.s32 $0x9880;
	s22 =	simm.s32 $0xA080;
	[dreg:$0x13] =	wrdreg s16  }
0x15: {  	s23 =	simm.s32 $0xA880;
	s28 =	simm.s32 $0x16080;
	[dreg:$0x14] =	wrdreg s17  }
0x16: {  	s29 =	simm.s32 $0x16880;
	s1 =	ssub.s32 $0x2, s1;
	[dreg:$0x15] =	wrdreg s18  }
0x17: {  	s30 =	simm.s32 $0x17080;
	s20 =	sshrl.u32 s1, $0x1;
	[dreg:$0x16] =	wrdreg s19  }
0x18: {  	s31 =	simm.s32 $0x17880;
	s1 =	ssub.s32 s1, s20;
	[dreg:$0x17] =	wrdreg s21  }
0x19: {  	s20 =	simm.s32 $0x12880;
	s3 =	sadd.s32 $0x1E0800, s5;
	[dreg:$0x18] =	wrdreg s22  }
0x1a: {  	s4 =	sadd.s32 $0x1E0900, s5;
	[dreg:$0x19] =	wrdreg s23;
	s7 =	simm.s32 $0xB080  }
0x1b: {  	s25 =	simm.s32 $0xC080;
	s8 =	simm.s32 $0x80;
	s26 =	simm.s32 $0xC880  }
0x1c: {  	s10 =	simm.s32 $0xD880;
	s11 =	simm.s32 $0xE080;
	s12 =	simm.s32 $0xE880  }
0x1d: {  	s13 =	simm.s32 $0xF080;
	s14 =	simm.s32 $0xF880;
	s15 =	simm.s32 $0x10080  }
0x1e: {  	s16 =	simm.s32 $0x10880;
	s17 =	simm.s32 $0x11080;
	s18 =	simm.s32 $0x11880  }
0x1f: {  	s19 =	simm.s32 $0x12080;
	s21 =	simm.s32 $0x13080;
	s22 =	simm.s32 $0x13880  }
0x20: {  	s23 =	simm.s32 $0x14080;
	s6 =	sadd.s32 s6, s5;
	[dreg:$0x1a] =	wrdreg s7  }
0x21: {  	s5 =	sadd.s32 $0x1E0A00, s5;
	s7 =	simm.s32 $0x2;
	[dreg:$0x1c] =	wrdreg s25  }
0x22: {  	[dreg:$0x1d] =	wrdreg s26;
	s25 =	simm.s32 $0x15080;
	s24 =	sadd.s32 $0x800, s6  }
0x23: {  	v2 =	vlaneseq.u32;
	s26 =	simm.s32 $0x15880;
	s6 =	simm.s32 $0x2880;
	[dreg:$0x4] =	wrdreg s24  }
0x24: {  	vm0 =	vmmov $0xffff;
	v1 =	vshrl.u32 v2, $0x3;
	[dreg:$0x9] =	wrdreg s6;
	s6 =	smax.u32 s1, $0x1;
	s24 =	simm.s32 $0xB880  }
0x25: {  	v0 =	vand.u32 $0x7, v2;
	v2 =	vor.u32 $0x8, v2;
	v1 =	vmul.u32 $0x8, v1;
	s1 =	simm.s32 $0x1;
	[dreg:$0x1b] =	wrdreg s24;
	s24 =	simm.s32 $0x14880  }
.LBB2_1:
0x26: {  	s0 =	rddreg [dreg:$0x3]  }
0x27: {  	[tilespmem:s2], [sflag:$0x2] =	stream.linear.gather [hbm4b:s0+s2], $0x80, $0x38;
	[tilespmem:$0x18080] =	vst v63  }
0x28: {  	_ =	swait.ge [sflag:s7], $0x80  }
0x29: {  	[sflag:s7] =	ssyncset.done $0x0  }
0x2a: {  	[sflag:s7] =	ssyncadd.s32 $0xFFFFFF80  }
0x2b: {  	v3 =	vld [tilespmem:$0x0];
	_ =	sdelay $0x4  }
0x2c: {  	v4 =	vshrl.u32 v3, $0x3  }
0x2d: {  	v4 =	vmul.u32 $0x30, v4  }
0x2e: {  	v3 =	vand.u32 $0x7, v3  }
0x2f: {  	v3 =	vor.u32 v3, v4  }
0x30: {  	v4 =	vperm.xlane v3, v0;
	_ =	sdelay $0x1  }
0x31: {  	v4 =	vadd.s32 v1, v4;
	_ =	sdelay $0x3  }
0x32: {  	v3 =	vperm.xlane v3, v2  }
0x33: {  	[tilespmem:s8], [sflag:$0x1] =	stream.indirect_vreg.gather [hbm4b:s3+s2], $0x80, v4, vm0, $0xb8;
	[tilespmem:$0x18080] =	vst v63  }
0x34: {  	s0 =	rddreg [dreg:$0x5];
	v3 =	vadd.s32 v1, v3  }
0x35: {  	[tilespmem:s0], [sflag:$0x1] =	stream.indirect_vreg.gather [hbm4b:s4+s2], $0x80, v4, vm0, $0xb8;
	[tilespmem:$0x18080] =	vst v63  }
0x36: {  	s9 =	rddreg [dreg:$0x6]  }
0x37: {  	[tilespmem:s9], [sflag:$0x1] =	stream.indirect_vreg.gather [hbm4b:s5+s2], $0x80, v4, vm0, $0xb8;
	[tilespmem:$0x18080] =	vst v63  }
0x38: {  	s0 =	rddreg [dreg:$0x7]  }
0x39: {  	[tilespmem:s0], [sflag:$0x1] =	stream.indirect_vreg.gather [hbm4b:s3+s2], $0x80, v3, vm0, $0xb8;
	[tilespmem:$0x18080] =	vst v63  }
0x3a: {  	s9 =	rddreg [dreg:$0x8]  }
0x3b: {  	[tilespmem:s9], [sflag:$0x1] =	stream.indirect_vreg.gather [hbm4b:s4+s2], $0x80, v3, vm0, $0xb8;
	[tilespmem:$0x18080] =	vst v63  }
0x3c: {  	s0 =	rddreg [dreg:$0x9]  }
0x3d: {  	[tilespmem:s0], [sflag:$0x1] =	stream.indirect_vreg.gather [hbm4b:s5+s2], $0x80, v3, vm0, $0xb8;
	[tilespmem:$0x18080] =	vst v63  }
0x3e: {  	v3 =	vld [tilespmem:$0x10];
	_ =	sdelay $0x4  }
0x3f: {  	v57 =	vshrl.u32 v3, $0x3  }
0x40: {  	v4 =	vmul.u32 $0x30, v57  }
0x41: {  	v3 =	vand.u32 $0x7, v3  }
0x42: {  	v3 =	vor.u32 v3, v4  }
0x43: {  	v4 =	vperm.xlane v3, v0;
	_ =	sdelay $0x1  }
0x44: {  	v4 =	vadd.s32 v1, v4;
	_ =	sdelay $0x3  }
0x45: {  	s0 =	rddreg [dreg:$0xa];
	v3 =	vperm.xlane v3, v2  }
0x46: {  	[tilespmem:s0], [sflag:$0x1] =	stream.indirect_vreg.gather [hbm4b:s3+s2], $0x80, v4, vm0, $0xb8;
	[tilespmem:$0x18080] =	vst v63  }
0x47: {  	s9 =	rddreg [dreg:$0xb];
	v3 =	vadd.s32 v1, v3  }
0x48: {  	[tilespmem:s9], [sflag:$0x1] =	stream.indirect_vreg.gather [hbm4b:s4+s2], $0x80, v4, vm0, $0xb8;
	[tilespmem:$0x18080] =	vst v63  }
0x49: {  	s0 =	rddreg [dreg:$0xc]  }
0x4a: {  	[tilespmem:s0], [sflag:$0x1] =	stream.indirect_vreg.gather [hbm4b:s5+s2], $0x80, v4, vm0, $0xb8;
	[tilespmem:$0x18080] =	vst v63  }
0x4b: {  	s9 =	rddreg [dreg:$0xd]  }
0x4c: {  	[tilespmem:s9], [sflag:$0x1] =	stream.indirect_vreg.gather [hbm4b:s3+s2], $0x80, v3, vm0, $0xb8;
	[tilespmem:$0x18080] =	vst v63  }
0x4d: {  	s0 =	rddreg [dreg:$0xe]  }
0x4e: {  	[tilespmem:s0], [sflag:$0x1] =	stream.indirect_vreg.gather [hbm4b:s4+s2], $0x80, v3, vm0, $0xb8;
	[tilespmem:$0x18080] =	vst v63  }
0x4f: {  	s9 =	rddreg [dreg:$0xf]  }
0x50: {  	[tilespmem:s9], [sflag:$0x1] =	stream.indirect_vreg.gather [hbm4b:s5+s2], $0x80, v3, vm0, $0xb8;
	[tilespmem:$0x18080] =	vst v63  }
0x51: {  	v3 =	vld [tilespmem:$0x20];
	_ =	sdelay $0x4  }
0x52: {  	v58 =	vshrl.u32 v3, $0x3  }
0x53: {  	v4 =	vmul.u32 $0x30, v58  }
0x54: {  	v3 =	vand.u32 $0x7, v3  }
0x55: {  	v3 =	vor.u32 v3, v4  }
0x56: {  	v4 =	vperm.xlane v3, v0;
	_ =	sdelay $0x1  }
0x57: {  	v4 =	vadd.s32 v1, v4;
	_ =	sdelay $0x3  }
0x58: {  	s0 =	rddreg [dreg:$0x10];
	v3 =	vperm.xlane v3, v2  }
0x59: {  	[tilespmem:s0], [sflag:$0x1] =	stream.indirect_vreg.gather [hbm4b:s3+s2], $0x80, v4, vm0, $0xb8;
	[tilespmem:$0x18080] =	vst v63  }
0x5a: {  	s9 =	rddreg [dreg:$0x11];
	v3 =	vadd.s32 v1, v3  }
0x5b: {  	[tilespmem:s9], [sflag:$0x1] =	stream.indirect_vreg.gather [hbm4b:s4+s2], $0x80, v4, vm0, $0xb8;
	[tilespmem:$0x18080] =	vst v63  }
0x5c: {  	s0 =	rddreg [dreg:$0x12]  }
0x5d: {  	[tilespmem:s0], [sflag:$0x1] =	stream.indirect_vreg.gather [hbm4b:s5+s2], $0x80, v4, vm0, $0xb8;
	[tilespmem:$0x18080] =	vst v63  }
0x5e: {  	s9 =	rddreg [dreg:$0x13]  }
0x5f: {  	[tilespmem:s9], [sflag:$0x1] =	stream.indirect_vreg.gather [hbm4b:s3+s2], $0x80, v3, vm0, $0xb8;
	[tilespmem:$0x18080] =	vst v63  }
0x60: {  	s0 =	rddreg [dreg:$0x14]  }
0x61: {  	[tilespmem:s0], [sflag:$0x1] =	stream.indirect_vreg.gather [hbm4b:s4+s2], $0x80, v3, vm0, $0xb8;
	[tilespmem:$0x18080] =	vst v63  }
0x62: {  	s9 =	rddreg [dreg:$0x15]  }
0x63: {  	[tilespmem:s9], [sflag:$0x1] =	stream.indirect_vreg.gather [hbm4b:s5+s2], $0x80, v3, vm0, $0xb8;
	[tilespmem:$0x18080] =	vst v63  }
0x64: {  	v3 =	vld [tilespmem:$0x30];
	_ =	sdelay $0x4  }
0x65: {  	v59 =	vshrl.u32 v3, $0x3  }
0x66: {  	v4 =	vmul.u32 $0x30, v59  }
0x67: {  	v3 =	vand.u32 $0x7, v3  }
0x68: {  	v3 =	vor.u32 v3, v4  }
0x69: {  	v4 =	vperm.xlane v3, v0;
	_ =	sdelay $0x1  }
0x6a: {  	v4 =	vadd.s32 v1, v4;
	_ =	sdelay $0x3  }
0x6b: {  	s0 =	rddreg [dreg:$0x16];
	v3 =	vperm.xlane v3, v2  }
0x6c: {  	[tilespmem:s0], [sflag:$0x1] =	stream.indirect_vreg.gather [hbm4b:s3+s2], $0x80, v4, vm0, $0xb8;
	[tilespmem:$0x18080] =	vst v63  }
0x6d: {  	s9 =	rddreg [dreg:$0x17];
	v3 =	vadd.s32 v1, v3  }
0x6e: {  	[tilespmem:s9], [sflag:$0x1] =	stream.indirect_vreg.gather [hbm4b:s4+s2], $0x80, v4, vm0, $0xb8;
	[tilespmem:$0x18080] =	vst v63  }
0x6f: {  	s0 =	rddreg [dreg:$0x18]  }
0x70: {  	[tilespmem:s0], [sflag:$0x1] =	stream.indirect_vreg.gather [hbm4b:s5+s2], $0x80, v4, vm0, $0xb8;
	[tilespmem:$0x18080] =	vst v63  }
0x71: {  	s9 =	rddreg [dreg:$0x19]  }
0x72: {  	[tilespmem:s9], [sflag:$0x1] =	stream.indirect_vreg.gather [hbm4b:s3+s2], $0x80, v3, vm0, $0xb8;
	[tilespmem:$0x18080] =	vst v63  }
0x73: {  	s0 =	rddreg [dreg:$0x1a]  }
0x74: {  	[tilespmem:s0], [sflag:$0x1] =	stream.indirect_vreg.gather [hbm4b:s4+s2], $0x80, v3, vm0, $0xb8;
	[tilespmem:$0x18080] =	vst v63  }
0x75: {  	s9 =	rddreg [dreg:$0x1b]  }
0x76: {  	[tilespmem:s9], [sflag:$0x1] =	stream.indirect_vreg.gather [hbm4b:s5+s2], $0x80, v3, vm0, $0xb8;
	[tilespmem:$0x18080] =	vst v63  }
0x77: {  	v3 =	vld [tilespmem:$0x40];
	_ =	sdelay $0x4  }
0x78: {  	v60 =	vshrl.u32 v3, $0x3  }
0x79: {  	v4 =	vmul.u32 $0x30, v60  }
0x7a: {  	v3 =	vand.u32 $0x7, v3  }
0x7b: {  	v3 =	vor.u32 v3, v4  }
0x7c: {  	v4 =	vperm.xlane v3, v0;
	_ =	sdelay $0x1  }
0x7d: {  	v4 =	vadd.s32 v1, v4;
	_ =	sdelay $0x3  }
0x7e: {  	s0 =	rddreg [dreg:$0x1c];
	v3 =	vperm.xlane v3, v2  }
0x7f: {  	[tilespmem:s0], [sflag:$0x1] =	stream.indirect_vreg.gather [hbm4b:s3+s2], $0x80, v4, vm0, $0xb8;
	[tilespmem:$0x18080] =	vst v63  }
0x80: {  	s9 =	rddreg [dreg:$0x1d];
	v3 =	vadd.s32 v1, v3  }
0x81: {  	[tilespmem:s9], [sflag:$0x1] =	stream.indirect_vreg.gather [hbm4b:s4+s2], $0x80, v4, vm0, $0xb8;
	[tilespmem:$0x18080] =	vst v63  }
0x82: {  	s9 =	simm.s32 $0xD080  }
0x83: {  	[tilespmem:s9], [sflag:$0x1] =	stream.indirect_vreg.gather [hbm4b:s5+s2], $0x80, v4, vm0, $0xb8;
	[tilespmem:$0x18080] =	vst v63  }
0x84: {  	_ = 	snop  }
0x85: {  	[tilespmem:s10], [sflag:$0x1] =	stream.indirect_vreg.gather [hbm4b:s3+s2], $0x80, v3, vm0, $0xb8;
	[tilespmem:$0x18080] =	vst v63  }
0x86: {  	_ = 	snop  }
0x87: {  	[tilespmem:s11], [sflag:$0x1] =	stream.indirect_vreg.gather [hbm4b:s4+s2], $0x80, v3, vm0, $0xb8;
	[tilespmem:$0x18080] =	vst v63  }
0x88: {  	_ = 	snop  }
0x89: {  	[tilespmem:s12], [sflag:$0x1] =	stream.indirect_vreg.gather [hbm4b:s5+s2], $0x80, v3, vm0, $0xb8;
	[tilespmem:$0x18080] =	vst v63  }
0x8a: {  	v3 =	vld [tilespmem:$0x50];
	_ =	sdelay $0x4  }
0x8b: {  	v61 =	vshrl.u32 v3, $0x3  }
0x8c: {  	v4 =	vmul.u32 $0x30, v61  }
0x8d: {  	v3 =	vand.u32 $0x7, v3  }
0x8e: {  	v3 =	vor.u32 v3, v4  }
0x8f: {  	v4 =	vperm.xlane v3, v0;
	_ =	sdelay $0x1  }
0x90: {  	v4 =	vadd.s32 v1, v4;
	_ =	sdelay $0x3  }
0x91: {  	v3 =	vperm.xlane v3, v2  }
0x92: {  	[tilespmem:s13], [sflag:$0x1] =	stream.indirect_vreg.gather [hbm4b:s3+s2], $0x80, v4, vm0, $0xb8;
	[tilespmem:$0x18080] =	vst v63  }
0x93: {  	v3 =	vadd.s32 v1, v3  }
0x94: {  	[tilespmem:s14], [sflag:$0x1] =	stream.indirect_vreg.gather [hbm4b:s4+s2], $0x80, v4, vm0, $0xb8;
	[tilespmem:$0x18080] =	vst v63  }
0x95: {  	_ = 	snop  }
0x96: {  	[tilespmem:s15], [sflag:$0x1] =	stream.indirect_vreg.gather [hbm4b:s5+s2], $0x80, v4, vm0, $0xb8;
	[tilespmem:$0x18080] =	vst v63  }
0x97: {  	_ = 	snop  }
0x98: {  	[tilespmem:s16], [sflag:$0x1] =	stream.indirect_vreg.gather [hbm4b:s3+s2], $0x80, v3, vm0, $0xb8;
	[tilespmem:$0x18080] =	vst v63  }
0x99: {  	_ = 	snop  }
0x9a: {  	[tilespmem:s17], [sflag:$0x1] =	stream.indirect_vreg.gather [hbm4b:s4+s2], $0x80, v3, vm0, $0xb8;
	[tilespmem:$0x18080] =	vst v63  }
0x9b: {  	_ = 	snop  }
0x9c: {  	[tilespmem:s18], [sflag:$0x1] =	stream.indirect_vreg.gather [hbm4b:s5+s2], $0x80, v3, vm0, $0xb8;
	[tilespmem:$0x18080] =	vst v63  }
0x9d: {  	v3 =	vld [tilespmem:$0x60];
	_ =	sdelay $0x4  }
0x9e: {  	v62 =	vshrl.u32 v3, $0x3  }
0x9f: {  	v4 =	vmul.u32 $0x30, v62  }
0xa0: {  	v3 =	vand.u32 $0x7, v3  }
0xa1: {  	v3 =	vor.u32 v3, v4  }
0xa2: {  	v4 =	vperm.xlane v3, v0;
	_ =	sdelay $0x1  }
0xa3: {  	v4 =	vadd.s32 v1, v4;
	_ =	sdelay $0x3  }
0xa4: {  	v3 =	vperm.xlane v3, v2  }
0xa5: {  	[tilespmem:s19], [sflag:$0x1] =	stream.indirect_vreg.gather [hbm4b:s3+s2], $0x80, v4, vm0, $0xb8;
	[tilespmem:$0x18080] =	vst v63  }
0xa6: {  	v3 =	vadd.s32 v1, v3  }
0xa7: {  	[tilespmem:s20], [sflag:$0x1] =	stream.indirect_vreg.gather [hbm4b:s4+s2], $0x80, v4, vm0, $0xb8;
	[tilespmem:$0x18080] =	vst v63  }
0xa8: {  	_ = 	snop  }
0xa9: {  	[tilespmem:s21], [sflag:$0x1] =	stream.indirect_vreg.gather [hbm4b:s5+s2], $0x80, v4, vm0, $0xb8;
	[tilespmem:$0x18080] =	vst v63  }
0xaa: {  	_ = 	snop  }
0xab: {  	[tilespmem:s22], [sflag:$0x1] =	stream.indirect_vreg.gather [hbm4b:s3+s2], $0x80, v3, vm0, $0xb8;
	[tilespmem:$0x18080] =	vst v63  }
0xac: {  	_ = 	snop  }
0xad: {  	[tilespmem:s23], [sflag:$0x1] =	stream.indirect_vreg.gather [hbm4b:s4+s2], $0x80, v3, vm0, $0xb8;
	[tilespmem:$0x18080] =	vst v63  }
0xae: {  	_ = 	snop  }
0xaf: {  	[tilespmem:s24], [sflag:$0x1] =	stream.indirect_vreg.gather [hbm4b:s5+s2], $0x80, v3, vm0, $0xb8;
	[tilespmem:$0x18080] =	vst v63  }
0xb0: {  	v3 =	vld [tilespmem:$0x70];
	_ =	sdelay $0x4  }
0xb1: {  	v63 =	vshrl.u32 v3, $0x3  }
0xb2: {  	v4 =	vmul.u32 $0x30, v63  }
0xb3: {  	v3 =	vand.u32 $0x7, v3  }
0xb4: {  	v3 =	vor.u32 v3, v4  }
0xb5: {  	v4 =	vperm.xlane v3, v0;
	_ =	sdelay $0x1  }
0xb6: {  	v4 =	vadd.s32 v1, v4;
	_ =	sdelay $0x3  }
0xb7: {  	v3 =	vperm.xlane v3, v2  }
0xb8: {  	[tilespmem:s25], [sflag:$0x1] =	stream.indirect_vreg.gather [hbm4b:s3+s2], $0x80, v4, vm0, $0xb8;
	[tilespmem:$0x18080] =	vst v63  }
0xb9: {  	v3 =	vadd.s32 v1, v3  }
0xba: {  	[tilespmem:s26], [sflag:$0x1] =	stream.indirect_vreg.gather [hbm4b:s4+s2], $0x80, v4, vm0, $0xb8;
	[tilespmem:$0x18080] =	vst v63  }
0xbb: {  	_ = 	snop  }
0xbc: {  	[tilespmem:s28], [sflag:$0x1] =	stream.indirect_vreg.gather [hbm4b:s5+s2], $0x80, v4, vm0, $0xb8;
	[tilespmem:$0x18080] =	vst v63  }
0xbd: {  	_ = 	snop  }
0xbe: {  	[tilespmem:s29], [sflag:$0x1] =	stream.indirect_vreg.gather [hbm4b:s3+s2], $0x80, v3, vm0, $0xb8;
	[tilespmem:$0x18080] =	vst v63  }
0xbf: {  	_ = 	snop  }
0xc0: {  	[tilespmem:s30], [sflag:$0x1] =	stream.indirect_vreg.gather [hbm4b:s4+s2], $0x80, v3, vm0, $0xb8;
	[tilespmem:$0x18080] =	vst v63  }
0xc1: {  	_ = 	snop  }
0xc2: {  	[tilespmem:s31], [sflag:$0x1] =	stream.indirect_vreg.gather [hbm4b:s5+s2], $0x80, v3, vm0, $0xb8;
	[tilespmem:$0x18080] =	vst v63  }
0xc3: {  	_ =	swait.ge [sflag:s1], $0x18000  }
0xc4: {  	p0 =	sne.s32 s6, $0x1;
	[sflag:s1] =	ssyncset.done $0x0  }
.Ltmp0:
0xc5: {  	s9 =	rddreg [dreg:$0x4];
	[sflag:s1] =	ssyncadd.s32 $0xFFFE8000;
	(pc) =	sbr.rel @p0 .LBB2_1-.Ltmp0, $4  }
0xc6: {  	[hbm4b:s9+s2] =	stream.linear.scatter [tilespmem:s8], [sflag:$0x2], $0x18000, $0x38;
	[tilespmem:$0x18080] =	vst v63  }
0xc7: {  	_ =	swait.ge [sflag:s7], $0x18000  }
0xc8: {  	[sflag:s7] =	ssyncset.done $0x0  }
0xc9: {  	s6 =	sadd.s32 $0xFFFFFFFF, s6;
	[sflag:s7] =	ssyncadd.s32 $0xFFFE8000  }
0xca: {  	_ =	sfence.sel $0x180000  }
0xcb: {  	[bflag:$0x0] =	sbarrier.arrive $0xFFFF  }
0xcc: {  	_ =	strace $0x9000004A  }
0xcd: {  	s0 =	stileid.u32;
	[bflag:$0x2] =	sbarrier.arrive $0xFFFF  }
0xce: {  	p0 =	sne.s32 s0, $0x0;
	s0 =	rddreg [dreg:$0x2]  }
0xcf: {  	s0 =	sadd.s32 @!p0 $0x100000, s0  }
0xd0: {  	[sflag:s0] =	ssyncadd.tile.s32 @!p0 $0x1;
	_ =	shalt  }
.Lfunc_end2:
_tile_overlayer_lowered:
.L_overlay_start_2:
0xd1: {  	(tag) =	ssettag $0x2  }
0xd2: {  	s0 =	rddreg [dreg:$0x0];
	s2 =	stileid.u32  }
0xd3: {  	s1 =	rddreg [dreg:$0x1];
	p0 =	sne.s32 s2, $0x0  }
0xd4: {  	s3 =	rddreg [dreg:$0x2];
	[bflag:$0x3] =	sbarrier.arrive $0xFFFF;
	s2 =	simm.s32 @!p0 $0x1C02  }
0xd5: {  	[timem:s3], [sflag:s2] =	dma.local @!p0 [hbm:s0], s1  }
0xd6: {  	s0 =	simm.s32 @!p0 $0x2  }
0xd7: {  	_ =	swait.ge @!p0 [sflag:s0], s1  }
0xd8: {  	s1 =	ssub.s32 @!p0 $0x0, s1;
	[sflag:s0] =	ssyncset.done @!p0 $0x0  }
0xd9: {  	[sflag:s0] =	ssyncadd.s32 @!p0 s1  }
0xda: {  	[bflag:$0x3] =	sbarrier.arrive $0xFFFF  }
0xdb: {  	_ =	shalt  }

// kernel: kernel.7.cloned.1.call-start
scs
__scs_entry_jumppad:
0x0: {  	(pc) =	sbr.rel $0x88, $3  }
0x1: {  	(tag) =	ssettag $0x0;
	lr =	simm.s32 $0x1  }
0x2: {  	[smem:$0x3F9A] =	sst lr;
	_ =	strace $0xD0000000  }
0x3: {  	_ = 	snop  }
0x4: {  	_ = 	snop  }
0x5: {  	_ = 	snop  }
0x6: {  	_ = 	snop  }
0x7: {  	_ = 	snop  }
__scs_overlays_trampoline_lowered:
0x8: {  	[smem:$0x3FA9] =	sst s0  }
0x9: {  	[smem:$0x3FAA] =	sst s1  }
0xa: {  	[smem:$0x3FAB] =	sst s2  }
0xb: {  	[smem:$0x3FAC] =	sst s3  }
0xc: {  	[smem:$0x3FAD] =	sst s4  }
0xd: {  	[smem:$0x3FAE] =	sst s5  }
0xe: {  	[smem:$0x3FAF] =	sst s6  }
0xf: {  	[smem:$0x3FB0] =	sst s7  }
0x10: {  	[smem:$0x3FB1] =	sst s8  }
0x11: {  	[smem:$0x3FB2] =	sst s9;
	s0 =	simm.s32 @!p0 $0x0  }
0x12: {  	s1 =	sld [smem:$0x3F98];
	s0 =	simm.s32 @p0 $0x1  }
0x13: {  	[smem:$0x3FB3] =	sst s0;
	s0 =	simm.s32 @!p1 $0x0  }
0x14: {  	s2 =	sld [smem:$0x3F97];
	s0 =	simm.s32 @p1 $0x1  }
0x15: {  	[smem:$0x3FB4] =	sst s0;
	s0 =	simm.s32 @!p2 $0x0  }
0x16: {  	s3 =	sld [smem:$0x3FDB];
	s0 =	simm.s32 @p2 $0x1  }
0x17: {  	s4 =	simm.s32 $0x1BF5;
	[smem:$0x3FB6] =	sst s0  }
0x18: {  	s0 =	sld [smem:$0x3F99];
	_ =	swait.ge [sflag:s4], $0x0  }
0x19: {  	s7 =	sld [smem:$0x3F9A]  }
0x1a: {  	s8 =	sadd.s32 $0xFFFFE003, lr  }
0x1b: {  	s9 =	sadd.s32 $0xFFFFFEF7, lr;
	s5 =	simm.s32 $0xFFFFFFFF;
	p2 =	slt.u32 s8, $0xFFFFF086  }
0x1c: {  	p1 =	slt.u32 s9, $0xF7A;
	s5 =	simm.s32 @!p2 $0x0  }
0x1d: {  	s5 =	simm.s32 @p1 $0x1;
	p0 =	seq.s32 s7, s2  }
0x1e: {  	s7 =	smul.u32 @!p0 $0xF7A, s2;
	p2 =	seq.s32 @!p0 s5, $0x0  }
0x1f: {  	s9 =	smul.u32 $0xF7A, s1;
	s8 =	simm.s32 @!p0 $0x1BF5;
	p2 =	por !p2, p0  }
0x20: {  	[sflag:s8] =	ssyncset.s32 @!p0 $0xFFFFF086;
	s6 =	sadd.s32 @!p0 s3, s7;
	s7 =	simm.s32 @!p0 $0x108  }
0x21: {  	s3 =	sadd.s32 s3, s9;
	s6 =	sadd.s32 @!p0 $0x88, s6;
	s7 =	simm.s32 @p2 $0x1082  }
0x22: {  	[simem:s7], [sflag:s8] =	dma.local @!p0 [hbm:s6], $0xF7A  }
0x23: {  	s9 =	sor.u32 $0xD0000000, s2;
	s6 =	simm.s32 $0x108;
	_ =	swait.ge @!p0 [sflag:s8], $0x0  }
0x24: {  	s3 =	sadd.s32 $0x88, s3;
	s6 =	simm.s32 @!p1 $0x1082;
	[sflag:s4] =	ssyncset.s32 $0xFFFFF086  }
0x25: {  	[simem:s6], [sflag:s4] =	dma.local [hbm:s3], $0xF7A  }
0x26: {  	[smem:$0x3F9A] =	sst s1;
	(tag) =	ssettag s2;
	_ =	strace s9  }
0x27: {  	s1 =	sld [smem:$0x3FAA]  }
0x28: {  	s2 =	sld [smem:$0x3FAB]  }
0x29: {  	s4 =	sld [smem:$0x3FAD]  }
0x2a: {  	p0 =	seq.s32 s5, $0x0;
	s5 =	sld [smem:$0x3FAE]  }
0x2b: {  	s6 =	sld [smem:$0x3FAF]  }
0x2c: {  	s7 =	sld [smem:$0x3FB0]  }
0x2d: {  	s3 =	simm.s32 $0x108;
	s8 =	sld [smem:$0x3FB1]  }
0x2e: {  	s3 =	simm.s32 @!p0 $0x1082;
	s9 =	sld [smem:$0x3FB2]  }
0x2f: {  	lr =	sadd.s32 s0, s3;
	s0 =	sld [smem:$0x3FA9]  }
0x30: {  	s3 =	sld [smem:$0x3FAC]  }
0x31: {  	[smem:$0x3FB5] =	sst s10  }
0x32: {  	s10 =	sld [smem:$0x3FB3];
	_ =	sdelay $0x3  }
0x33: {  	p0 =	seq.s32 s10, $0x1;
	s10 =	sld [smem:$0x3FB5];
	_ =	sdelay $0x3  }
0x34: {  	[smem:$0x3FB5] =	sst s10  }
0x35: {  	s10 =	sld [smem:$0x3FB4];
	_ =	sdelay $0x3  }
0x36: {  	p1 =	seq.s32 s10, $0x1;
	s10 =	sld [smem:$0x3FB5];
	_ =	sdelay $0x3  }
0x37: {  	[smem:$0x3FB5] =	sst s10  }
0x38: {  	s10 =	sld [smem:$0x3FB6]  }
0x39: {  	_ = 	snop;
	(pc) =	sbr.ind lr, $3  }
0x3a: {  	_ = 	snop  }
0x3b: {  	_ = 	snop  }
0x3c: {  	p2 =	seq.s32 s10, $0x1;
	s10 =	sld [smem:$0x3FB5]  }
0x3d: {  	_ =	shalt  }
0x3e: {  	_ =	shalt  }
0x3f: {  	_ =	shalt  }
0x40: {  	_ =	shalt  }
0x41: {  	_ =	shalt  }
0x42: {  	_ =	shalt  }
0x43: {  	_ =	shalt  }
0x44: {  	_ =	shalt  }
0x45: {  	_ =	shalt  }
0x46: {  	_ =	shalt  }
0x47: {  	_ =	shalt  }
0x48: {  	_ =	shalt  }
0x49: {  	_ =	shalt  }
0x4a: {  	_ =	shalt  }
0x4b: {  	_ =	shalt  }
0x4c: {  	_ =	shalt  }
0x4d: {  	_ =	shalt  }
0x4e: {  	_ =	shalt  }
0x4f: {  	_ =	shalt  }
0x50: {  	_ =	shalt  }
0x51: {  	_ =	shalt  }
0x52: {  	_ =	shalt  }
0x53: {  	_ =	shalt  }
0x54: {  	_ =	shalt  }
0x55: {  	_ =	shalt  }
0x56: {  	_ =	shalt  }
0x57: {  	_ =	shalt  }
0x58: {  	_ =	shalt  }
0x59: {  	_ =	shalt  }
0x5a: {  	_ =	shalt  }
0x5b: {  	_ =	shalt  }
0x5c: {  	_ =	shalt  }
0x5d: {  	_ =	shalt  }
0x5e: {  	_ =	shalt  }
0x5f: {  	_ =	shalt  }
0x60: {  	_ =	shalt  }
0x61: {  	_ =	shalt  }
0x62: {  	_ =	shalt  }
0x63: {  	_ =	shalt  }
0x64: {  	_ =	shalt  }
0x65: {  	_ =	shalt  }
0x66: {  	_ =	shalt  }
0x67: {  	_ =	shalt  }
0x68: {  	_ =	shalt  }
0x69: {  	_ =	shalt  }
0x6a: {  	_ =	shalt  }
0x6b: {  	_ =	shalt  }
0x6c: {  	_ =	shalt  }
0x6d: {  	_ =	shalt  }
0x6e: {  	_ =	shalt  }
0x6f: {  	_ =	shalt  }
0x70: {  	_ =	shalt  }
0x71: {  	_ =	shalt  }
0x72: {  	_ =	shalt  }
0x73: {  	_ =	shalt  }
0x74: {  	_ =	shalt  }
0x75: {  	_ =	shalt  }
0x76: {  	_ =	shalt  }
0x77: {  	_ =	shalt  }
0x78: {  	_ =	shalt  }
0x79: {  	_ =	shalt  }
0x7a: {  	_ =	shalt  }
0x7b: {  	_ =	shalt  }
0x7c: {  	_ =	shalt  }
0x7d: {  	_ =	shalt  }
0x7e: {  	_ =	shalt  }
0x7f: {  	_ =	shalt  }
0x80: {  	_ =	shalt  }
0x81: {  	_ =	shalt  }
0x82: {  	_ =	shalt  }
0x83: {  	_ =	shalt  }
0x84: {  	_ =	shalt  }
0x85: {  	_ =	shalt  }
0x86: {  	_ =	shalt  }
0x87: {  	_ =	shalt  }
.Lfunc_end0:
.L_simem_size_0:
called_computation_lowered:
.L_overlay_start_0:
0x88: {  	s2 =	sld [smem:$0x3FD9]  }
0x89: {  	s3 =	sld [smem:$0x3FFE];
	_ =	sdelay $0x1  }
0x8a: {  	s1 =	srdreg.scid  }
0x8b: {  	s0 =	sand.u32 $0x1, s1  }
0x8c: {  	s14 =	sshll.u32 s0, $0xA;
	s2 =	sadd.s32 s3, s2  }
0x8d: {  	s2 =	sadd.s32 s2, s14  }
0x8e: {  	[smem:$0x3FC1] =	sst s2  }
0x8f: {  	_ = 	snop  }
0x90: {  	s2 =	sld [smem:$0x3FD0];
	_ =	sdelay $0x2  }
0x91: {  	s4 =	simm.s32 $0xA;
	s5 =	simm.s32 $0x10;
	s15 =	sld [smem:$0x3FC9]  }
0x92: {  	[smem:s5], [sflag:s4] =	dma.local [hbm:s2], $0x1  }
0x93: {  	_ =	swait.eq [sflag:s4], $0x1  }
0x94: {  	[sflag:s4] =	ssyncset.done $0x0  }
0x95: {  	[sflag:s4] =	ssyncadd.s32 $0xFFFFFFFF  }
0x96: {  	s16 =	sld [smem:$0x10];
	(tm) =	ssettm $0x1  }
0x97: {  	s17 =	sld [smem:$0x3FFB];
	_ =	sdelay $0x3  }
0x98: {  	_ =	strace s17  }
0x99: {  	s4 =	sld [smem:$0x3FFC];
	_ =	sdelay $0x3  }
0x9a: {  	_ =	strace s4  }
0x9b: {  	s4 =	sld [smem:$0x3FFD];
	_ =	sdelay $0x3  }
0x9c: {  	_ =	strace s4  }
0x9d: {  	_ =	strace $0x8FFFFFFF  }
0x9e: {  	s18 =	sld [smem:$0x3FDB];
	_ =	sdelay $0x1  }
0x9f: {  	s19 =	simm.s32 $_scs_section_size  }
0xa0: {  	s6 =	simm.s32 $_size__tile_overlayer_lowered;
	s7 =	simm.s32 $_tile_overlayer_lowered  }
0xa1: {  	s22 =	simm.s32 $0x1BFF;
	s21 =	sshll.u32 s7, $0x1;
	s4 =	sadd.s32 s19, s18  }
0xa2: {  	s8 =	simm.s32 $0x0;
	s20 =	sshll.u32 s6, $0x1;
	s6 =	sadd.s32 s21, s4  }
0xa3: {  	[timem:s8], [sflag:s22] =	dma.local [hbm:s6], s20  }
0xa4: {  	_ =	swait.ge [sflag:s22], s20  }
0xa5: {  	s5 =	ssub.s32 $0x0, s20;
	[sflag:s22] =	ssyncset.done $0x0  }
0xa6: {  	[sflag:s22] =	ssyncadd.s32 s5;
	_ =	sdelay $0x1  }
0xa7: {  	s23 =	simm.s32 $0x1B8B  }
0xa8: {  	_ =	swait.ge [sflag:s23], $0x1  }
0xa9: {  	[sflag:s23] =	ssyncset.done $0x0  }
0xaa: {  	s25 =	simm.s32 $0x1B8E;
	s24 =	sld [smem:$0x3FFE];
	[sflag:s23] =	ssyncadd.s32 $0xFFFFFFFF  }
0xab: {  	s26 =	simm.s32 $execute0_lowered;
	[smem:$0x3FD2] =	sst s25  }
0xac: {  	s6 =	sshll.u32 s26, $0x1;
	_ =	strace $0x80000046;
	[dreg:$0x1] =	wrdreg $0xFFFFFFFF  }
0xad: {  	s28 =	simm.s32 $_size_execute0_lowered;
	s4 =	sadd.s32 s4, s6;
	[dreg:$0x0] =	wrdreg $0x0  }
0xae: {  	s6 =	sshll.u32 s28, $0x1;
	[dreg:$0x2] =	wrdreg s4  }
0xaf: {  	[dreg:$0x3] =	wrdreg s6  }
0xb0: {  	[dreg:$0x4] =	wrdreg $0xC0  }
0xb1: {  	_ =	task [dreg:s8], $0x5FFFF  }
0xb2: {  	[dreg:$0x1] =	wrdreg $0xFFFFFFFF  }
0xb3: {  	[dreg:$0x0] =	wrdreg $0x60  }
0xb4: {  	[dreg:$0x2] =	wrdreg s15  }
0xb5: {  	[dreg:$0x3] =	wrdreg s16  }
0xb6: {  	[dreg:$0x4] =	wrdreg s24  }
0xb7: {  	[dreg:$0x5] =	wrdreg $0x9  }
0xb8: {  	_ =	task.clear_ibuf [dreg:s8], $0x6FFFF;
	_ =	strace $0x90000046  }
0xb9: {  	s29 =	simm.s32 $0x9;
	_ =	strace $0x80000048  }
0xba: {  	_ =	swait.ge [sflag:s29], $0x1  }
0xbb: {  	[sflag:s29] =	ssyncadd.s32 $0xFFFFFFFF  }
0xbc: {  	_ =	strace $0x90000048  }
0xbd: {  	_ =	sfence  }
0xbe: {  	s30 =	sld [smem:$0x0];
	_ =	sdelay $0x2  }
0xbf: {  	s31 =	sshll.u32 s1, $0xD;
	s1 =	sshrl.u32 s1, $0x2  }
0xc0: {  	s3 =	sand.u32 $0x4000, s31;
	s1 =	sadd.s32 s1, s30  }
0xc1: {  	s0 =	sor.u32 s3, s0;
	s1 =	sshll.u32 s1, $0x11  }
0xc2: {  	s0 =	sor.u32 s1, s0  }
0xc3: {  	s0 =	sadd.s32 $0x8F2B, s0  }
0xc4: {  	[sflag:s0] =	ssyncadd.remote.s32 $0x1  }
0xc5: {  	_ =	sfence.sel $0xFFFF  }
0xc6: {  	[dreg:$0x0] =	wrdreg $0xFFFFFFFF;
	(pc) =	sbr.abs _section_cstart, $3  }
0xc7: {  	[dreg:$0x1] =	wrdreg $0xFFFFFFFF  }
0xc8: {  	_ =	task.clear_ibuf [dreg:s8], $0x2FFFF;
	_ =	strace $0x9FFFFFFF  }
0xc9: {  	(tm) =	ssettm $0x7FFFFFFF  }
tec
execute0_lowered:
.L_overlay_start_1:
0x0: {  	(tag) =	ssettag $0x1  }
0x1: {  	s1 =	srdreg.scid  }
0x2: {  	s0 =	stileid.u32;
	s3 =	rddreg [dreg:$0x0];
	s1 =	sand.u32 $0x1, s1  }
0x3: {  	s5 =	rddreg [dreg:$0x1];
	s2 =	sshll.u32 s0, $0x5;
	s4 =	sshll.u32 s1, $0x4  }
0x4: {  	s6 =	rddreg [dreg:$0x2];
	s4 =	sor.u32 s4, s2;
	s2 =	simm.s32 $0x0  }
0x5: {  	[smem:$0x7FF] =	sst s2;
	s23 =	sadd.s32 s5, s4  }
0x6: {  	s24 =	simm.s32 $0x880;
	_ =	strace $0x80000047;
	[dreg:$0x5] =	wrdreg s23  }
0x7: {  	s25 =	simm.s32 $0x1080;
	[dreg:$0x6] =	wrdreg s24  }
0x8: {  	s26 =	simm.s32 $0x1880;
	[dreg:$0x7] =	wrdreg s25  }
0x9: {  	s0 =	simm.s32 $0x2080;
	[dreg:$0x8] =	wrdreg s26  }
0xa: {  	s7 =	sand.u32 $0xF0, s4;
	s4 =	simm.s32 $0x2880;
	[dreg:$0x9] =	wrdreg s0  }
0xb: {  	s5 =	simm.s32 $0x3080;
	[dreg:$0xa] =	wrdreg s4  }
0xc: {  	s8 =	simm.s32 $0x4080;
	[dreg:$0xb] =	wrdreg s5  }
0xd: {  	s9 =	simm.s32 $0x4880;
	[dreg:$0xd] =	wrdreg s8  }
0xe: {  	s10 =	simm.s32 $0x5080;
	[dreg:$0xe] =	wrdreg s9  }
0xf: {  	s11 =	simm.s32 $0x5880;
	[dreg:$0xf] =	wrdreg s10  }
0x10: {  	s12 =	simm.s32 $0x6080;
	[dreg:$0x10] =	wrdreg s11  }
0x11: {  	s13 =	simm.s32 $0x6880;
	s14 =	simm.s32 $0x7080;
	[dreg:$0x11] =	wrdreg s12  }
0x12: {  	s15 =	simm.s32 $0x7880;
	s16 =	simm.s32 $0x8080;
	[dreg:$0x12] =	wrdreg s13  }
0x13: {  	s17 =	simm.s32 $0x8880;
	s18 =	simm.s32 $0x9080;
	[dreg:$0x13] =	wrdreg s14  }
0x14: {  	s20 =	simm.s32 $0x9880;
	s21 =	simm.s32 $0xA080;
	[dreg:$0x14] =	wrdreg s15  }
0x15: {  	s22 =	simm.s32 $0xA880;
	s28 =	simm.s32 $0x16080;
	[dreg:$0x15] =	wrdreg s16  }
0x16: {  	s29 =	simm.s32 $0x16880;
	s1 =	ssub.s32 $0x2, s1;
	[dreg:$0x16] =	wrdreg s17  }
0x17: {  	s30 =	simm.s32 $0x17080;
	s19 =	sshrl.u32 s1, $0x1;
	[dreg:$0x17] =	wrdreg s18  }
0x18: {  	s31 =	simm.s32 $0x17880;
	s1 =	ssub.s32 s1, s19;
	[dreg:$0x18] =	wrdreg s20  }
0x19: {  	s19 =	simm.s32 $0x12080;
	s7 =	smul.u32 $0x300, s7;
	[dreg:$0x19] =	wrdreg s21  }
0x1a: {  	s4 =	sadd.s32 $0x900, s6;
	s5 =	sadd.s32 $0xA00, s6;
	[dreg:$0x1a] =	wrdreg s22  }
0x1b: {  	s23 =	simm.s32 $0xB080;
	s24 =	simm.s32 $0xB880;
	s25 =	simm.s32 $0xC080  }
0x1c: {  	s8 =	simm.s32 $0x2;
	s26 =	simm.s32 $0xC880;
	s10 =	simm.s32 $0xD880  }
0x1d: {  	s11 =	simm.s32 $0xE080;
	s12 =	simm.s32 $0xE880;
	s13 =	simm.s32 $0xF080  }
0x1e: {  	s14 =	simm.s32 $0xF880;
	s15 =	simm.s32 $0x10080;
	[dreg:$0x1b] =	wrdreg s23  }
0x1f: {  	s16 =	simm.s32 $0x10880;
	s17 =	simm.s32 $0x11080;
	[dreg:$0x1c] =	wrdreg s24  }
0x20: {  	s18 =	simm.s32 $0x11880;
	s20 =	simm.s32 $0x12880;
	[dreg:$0x1d] =	wrdreg s25  }
0x21: {  	s21 =	simm.s32 $0x13080;
	s22 =	simm.s32 $0x13880;
	[dreg:$0x1e] =	wrdreg s26  }
0x22: {  	s23 =	simm.s32 $0x14080;
	s24 =	simm.s32 $0x14880;
	s3 =	sadd.s32 s3, s7  }
0x23: {  	v2 =	vlaneseq.u32;
	s25 =	simm.s32 $0x15080;
	s7 =	simm.s32 $0x3880;
	[dreg:$0x4] =	wrdreg s3  }
0x24: {  	vm0 =	vmmov $0xffff;
	v1 =	vshrl.u32 v2, $0x3;
	s26 =	simm.s32 $0x15880;
	[dreg:$0xc] =	wrdreg s7;
	s3 =	sadd.s32 $0x800, s6  }
0x25: {  	v0 =	vand.u32 $0x7, v2;
	v2 =	vor.u32 $0x8, v2;
	v1 =	vmul.u32 $0x8, v1;
	s6 =	smax.u32 s1, $0x1;
	s7 =	simm.s32 $0x80;
	s1 =	simm.s32 $0x1  }
.LBB2_1:
0x26: {  	s0 =	rddreg [dreg:$0x4]  }
0x27: {  	[tilespmem:s7], [sflag:$0x2] =	stream.linear.gather [hbm4b:s0+s2], $0x18000, $0x38;
	[tilespmem:$0x18080] =	vst v63  }
0x28: {  	_ =	swait.ge [sflag:s8], $0x18000  }
0x29: {  	[sflag:s8] =	ssyncset.done $0x0  }
0x2a: {  	s9 =	rddreg [dreg:$0x5];
	[sflag:s8] =	ssyncadd.s32 $0xFFFE8000  }
0x2b: {  	[tilespmem:s2], [sflag:$0x2] =	stream.linear.gather [hbm4b:s9+s2], $0x80, $0x38;
	[tilespmem:$0x18080] =	vst v63  }
0x2c: {  	_ =	swait.ge [sflag:s8], $0x80  }
0x2d: {  	[sflag:s8] =	ssyncset.done $0x0  }
0x2e: {  	[sflag:s8] =	ssyncadd.s32 $0xFFFFFF80  }
0x2f: {  	v3 =	vld [tilespmem:$0x0];
	_ =	sdelay $0x4  }
0x30: {  	v4 =	vshrl.u32 v3, $0x3  }
0x31: {  	v4 =	vmul.u32 $0x30, v4  }
0x32: {  	v3 =	vand.u32 $0x7, v3  }
0x33: {  	v3 =	vor.u32 v3, v4  }
0x34: {  	v4 =	vperm.xlane v3, v0;
	_ =	sdelay $0x1  }
0x35: {  	v4 =	vadd.s32 v1, v4;
	_ =	sdelay $0x3  }
0x36: {  	v3 =	vperm.xlane v3, v2  }
0x37: {  	[hbm4b:s3+s2] =	stream.indirect_vreg.scatter [tilespmem:s7], [sflag:$0x1], $0x80, v4, vm0, $0xb8;
	[tilespmem:$0x18080] =	vst v63  }
0x38: {  	s0 =	rddreg [dreg:$0x6];
	v3 =	vadd.s32 v1, v3  }
0x39: {  	[hbm4b:s4+s2] =	stream.indirect_vreg.scatter [tilespmem:s0], [sflag:$0x1], $0x80, v4, vm0, $0xb8;
	[tilespmem:$0x18080] =	vst v63  }
0x3a: {  	s9 =	rddreg [dreg:$0x7]  }
0x3b: {  	[hbm4b:s5+s2] =	stream.indirect_vreg.scatter [tilespmem:s9], [sflag:$0x1], $0x80, v4, vm0, $0xb8;
	[tilespmem:$0x18080] =	vst v63  }
0x3c: {  	s0 =	rddreg [dreg:$0x8]  }
0x3d: {  	[hbm4b:s3+s2] =	stream.indirect_vreg.scatter [tilespmem:s0], [sflag:$0x1], $0x80, v3, vm0, $0xb8;
	[tilespmem:$0x18080] =	vst v63  }
0x3e: {  	s9 =	rddreg [dreg:$0x9]  }
0x3f: {  	[hbm4b:s4+s2] =	stream.indirect_vreg.scatter [tilespmem:s9], [sflag:$0x1], $0x80, v3, vm0, $0xb8;
	[tilespmem:$0x18080] =	vst v63  }
0x40: {  	s0 =	rddreg [dreg:$0xa]  }
0x41: {  	[hbm4b:s5+s2] =	stream.indirect_vreg.scatter [tilespmem:s0], [sflag:$0x1], $0x80, v3, vm0, $0xb8;
	[tilespmem:$0x18080] =	vst v63  }
0x42: {  	v3 =	vld [tilespmem:$0x10];
	_ =	sdelay $0x4  }
0x43: {  	v57 =	vshrl.u32 v3, $0x3  }
0x44: {  	v4 =	vmul.u32 $0x30, v57  }
0x45: {  	v3 =	vand.u32 $0x7, v3  }
0x46: {  	v3 =	vor.u32 v3, v4  }
0x47: {  	v4 =	vperm.xlane v3, v0;
	_ =	sdelay $0x1  }
0x48: {  	v4 =	vadd.s32 v1, v4;
	_ =	sdelay $0x3  }
0x49: {  	s0 =	rddreg [dreg:$0xb];
	v3 =	vperm.xlane v3, v2  }
0x4a: {  	[hbm4b:s3+s2] =	stream.indirect_vreg.scatter [tilespmem:s0], [sflag:$0x1], $0x80, v4, vm0, $0xb8;
	[tilespmem:$0x18080] =	vst v63  }
0x4b: {  	s9 =	rddreg [dreg:$0xc];
	v3 =	vadd.s32 v1, v3  }
0x4c: {  	[hbm4b:s4+s2] =	stream.indirect_vreg.scatter [tilespmem:s9], [sflag:$0x1], $0x80, v4, vm0, $0xb8;
	[tilespmem:$0x18080] =	vst v63  }
0x4d: {  	s0 =	rddreg [dreg:$0xd]  }
0x4e: {  	[hbm4b:s5+s2] =	stream.indirect_vreg.scatter [tilespmem:s0], [sflag:$0x1], $0x80, v4, vm0, $0xb8;
	[tilespmem:$0x18080] =	vst v63  }
0x4f: {  	s9 =	rddreg [dreg:$0xe]  }
0x50: {  	[hbm4b:s3+s2] =	stream.indirect_vreg.scatter [tilespmem:s9], [sflag:$0x1], $0x80, v3, vm0, $0xb8;
	[tilespmem:$0x18080] =	vst v63  }
0x51: {  	s0 =	rddreg [dreg:$0xf]  }
0x52: {  	[hbm4b:s4+s2] =	stream.indirect_vreg.scatter [tilespmem:s0], [sflag:$0x1], $0x80, v3, vm0, $0xb8;
	[tilespmem:$0x18080] =	vst v63  }
0x53: {  	s9 =	rddreg [dreg:$0x10]  }
0x54: {  	[hbm4b:s5+s2] =	stream.indirect_vreg.scatter [tilespmem:s9], [sflag:$0x1], $0x80, v3, vm0, $0xb8;
	[tilespmem:$0x18080] =	vst v63  }
0x55: {  	v3 =	vld [tilespmem:$0x20];
	_ =	sdelay $0x4  }
0x56: {  	v58 =	vshrl.u32 v3, $0x3  }
0x57: {  	v4 =	vmul.u32 $0x30, v58  }
0x58: {  	v3 =	vand.u32 $0x7, v3  }
0x59: {  	v3 =	vor.u32 v3, v4  }
0x5a: {  	v4 =	vperm.xlane v3, v0;
	_ =	sdelay $0x1  }
0x5b: {  	v4 =	vadd.s32 v1, v4;
	_ =	sdelay $0x3  }
0x5c: {  	s0 =	rddreg [dreg:$0x11];
	v3 =	vperm.xlane v3, v2  }
0x5d: {  	[hbm4b:s3+s2] =	stream.indirect_vreg.scatter [tilespmem:s0], [sflag:$0x1], $0x80, v4, vm0, $0xb8;
	[tilespmem:$0x18080] =	vst v63  }
0x5e: {  	s9 =	rddreg [dreg:$0x12];
	v3 =	vadd.s32 v1, v3  }
0x5f: {  	[hbm4b:s4+s2] =	stream.indirect_vreg.scatter [tilespmem:s9], [sflag:$0x1], $0x80, v4, vm0, $0xb8;
	[tilespmem:$0x18080] =	vst v63  }
0x60: {  	s0 =	rddreg [dreg:$0x13]  }
0x61: {  	[hbm4b:s5+s2] =	stream.indirect_vreg.scatter [tilespmem:s0], [sflag:$0x1], $0x80, v4, vm0, $0xb8;
	[tilespmem:$0x18080] =	vst v63  }
0x62: {  	s9 =	rddreg [dreg:$0x14]  }
0x63: {  	[hbm4b:s3+s2] =	stream.indirect_vreg.scatter [tilespmem:s9], [sflag:$0x1], $0x80, v3, vm0, $0xb8;
	[tilespmem:$0x18080] =	vst v63  }
0x64: {  	s0 =	rddreg [dreg:$0x15]  }
0x65: {  	[hbm4b:s4+s2] =	stream.indirect_vreg.scatter [tilespmem:s0], [sflag:$0x1], $0x80, v3, vm0, $0xb8;
	[tilespmem:$0x18080] =	vst v63  }
0x66: {  	s9 =	rddreg [dreg:$0x16]  }
0x67: {  	[hbm4b:s5+s2] =	stream.indirect_vreg.scatter [tilespmem:s9], [sflag:$0x1], $0x80, v3, vm0, $0xb8;
	[tilespmem:$0x18080] =	vst v63  }
0x68: {  	v3 =	vld [tilespmem:$0x30];
	_ =	sdelay $0x4  }
0x69: {  	v59 =	vshrl.u32 v3, $0x3  }
0x6a: {  	v4 =	vmul.u32 $0x30, v59  }
0x6b: {  	v3 =	vand.u32 $0x7, v3  }
0x6c: {  	v3 =	vor.u32 v3, v4  }
0x6d: {  	v4 =	vperm.xlane v3, v0;
	_ =	sdelay $0x1  }
0x6e: {  	v4 =	vadd.s32 v1, v4;
	_ =	sdelay $0x3  }
0x6f: {  	s0 =	rddreg [dreg:$0x17];
	v3 =	vperm.xlane v3, v2  }
0x70: {  	[hbm4b:s3+s2] =	stream.indirect_vreg.scatter [tilespmem:s0], [sflag:$0x1], $0x80, v4, vm0, $0xb8;
	[tilespmem:$0x18080] =	vst v63  }
0x71: {  	s9 =	rddreg [dreg:$0x18];
	v3 =	vadd.s32 v1, v3  }
0x72: {  	[hbm4b:s4+s2] =	stream.indirect_vreg.scatter [tilespmem:s9], [sflag:$0x1], $0x80, v4, vm0, $0xb8;
	[tilespmem:$0x18080] =	vst v63  }
0x73: {  	s0 =	rddreg [dreg:$0x19]  }
0x74: {  	[hbm4b:s5+s2] =	stream.indirect_vreg.scatter [tilespmem:s0], [sflag:$0x1], $0x80, v4, vm0, $0xb8;
	[tilespmem:$0x18080] =	vst v63  }
0x75: {  	s9 =	rddreg [dreg:$0x1a]  }
0x76: {  	[hbm4b:s3+s2] =	stream.indirect_vreg.scatter [tilespmem:s9], [sflag:$0x1], $0x80, v3, vm0, $0xb8;
	[tilespmem:$0x18080] =	vst v63  }
0x77: {  	s0 =	rddreg [dreg:$0x1b]  }
0x78: {  	[hbm4b:s4+s2] =	stream.indirect_vreg.scatter [tilespmem:s0], [sflag:$0x1], $0x80, v3, vm0, $0xb8;
	[tilespmem:$0x18080] =	vst v63  }
0x79: {  	s9 =	rddreg [dreg:$0x1c]  }
0x7a: {  	[hbm4b:s5+s2] =	stream.indirect_vreg.scatter [tilespmem:s9], [sflag:$0x1], $0x80, v3, vm0, $0xb8;
	[tilespmem:$0x18080] =	vst v63  }
0x7b: {  	v3 =	vld [tilespmem:$0x40];
	_ =	sdelay $0x4  }
0x7c: {  	v60 =	vshrl.u32 v3, $0x3  }
0x7d: {  	v4 =	vmul.u32 $0x30, v60  }
0x7e: {  	v3 =	vand.u32 $0x7, v3  }
0x7f: {  	v3 =	vor.u32 v3, v4  }
0x80: {  	v4 =	vperm.xlane v3, v0;
	_ =	sdelay $0x1  }
0x81: {  	v4 =	vadd.s32 v1, v4;
	_ =	sdelay $0x3  }
0x82: {  	s0 =	rddreg [dreg:$0x1d];
	v3 =	vperm.xlane v3, v2  }
0x83: {  	[hbm4b:s3+s2] =	stream.indirect_vreg.scatter [tilespmem:s0], [sflag:$0x1], $0x80, v4, vm0, $0xb8;
	[tilespmem:$0x18080] =	vst v63  }
0x84: {  	s9 =	rddreg [dreg:$0x1e];
	v3 =	vadd.s32 v1, v3  }
0x85: {  	[hbm4b:s4+s2] =	stream.indirect_vreg.scatter [tilespmem:s9], [sflag:$0x1], $0x80, v4, vm0, $0xb8;
	[tilespmem:$0x18080] =	vst v63  }
0x86: {  	s9 =	simm.s32 $0xD080  }
0x87: {  	[hbm4b:s5+s2] =	stream.indirect_vreg.scatter [tilespmem:s9], [sflag:$0x1], $0x80, v4, vm0, $0xb8;
	[tilespmem:$0x18080] =	vst v63  }
0x88: {  	_ = 	snop  }
0x89: {  	[hbm4b:s3+s2] =	stream.indirect_vreg.scatter [tilespmem:s10], [sflag:$0x1], $0x80, v3, vm0, $0xb8;
	[tilespmem:$0x18080] =	vst v63  }
0x8a: {  	_ = 	snop  }
0x8b: {  	[hbm4b:s4+s2] =	stream.indirect_vreg.scatter [tilespmem:s11], [sflag:$0x1], $0x80, v3, vm0, $0xb8;
	[tilespmem:$0x18080] =	vst v63  }
0x8c: {  	_ = 	snop  }
0x8d: {  	[hbm4b:s5+s2] =	stream.indirect_vreg.scatter [tilespmem:s12], [sflag:$0x1], $0x80, v3, vm0, $0xb8;
	[tilespmem:$0x18080] =	vst v63  }
0x8e: {  	v3 =	vld [tilespmem:$0x50];
	_ =	sdelay $0x4  }
0x8f: {  	v61 =	vshrl.u32 v3, $0x3  }
0x90: {  	v4 =	vmul.u32 $0x30, v61  }
0x91: {  	v3 =	vand.u32 $0x7, v3  }
0x92: {  	v3 =	vor.u32 v3, v4  }
0x93: {  	v4 =	vperm.xlane v3, v0;
	_ =	sdelay $0x1  }
0x94: {  	v4 =	vadd.s32 v1, v4;
	_ =	sdelay $0x3  }
0x95: {  	v3 =	vperm.xlane v3, v2  }
0x96: {  	[hbm4b:s3+s2] =	stream.indirect_vreg.scatter [tilespmem:s13], [sflag:$0x1], $0x80, v4, vm0, $0xb8;
	[tilespmem:$0x18080] =	vst v63  }
0x97: {  	v3 =	vadd.s32 v1, v3  }
0x98: {  	[hbm4b:s4+s2] =	stream.indirect_vreg.scatter [tilespmem:s14], [sflag:$0x1], $0x80, v4, vm0, $0xb8;
	[tilespmem:$0x18080] =	vst v63  }
0x99: {  	_ = 	snop  }
0x9a: {  	[hbm4b:s5+s2] =	stream.indirect_vreg.scatter [tilespmem:s15], [sflag:$0x1], $0x80, v4, vm0, $0xb8;
	[tilespmem:$0x18080] =	vst v63  }
0x9b: {  	_ = 	snop  }
0x9c: {  	[hbm4b:s3+s2] =	stream.indirect_vreg.scatter [tilespmem:s16], [sflag:$0x1], $0x80, v3, vm0, $0xb8;
	[tilespmem:$0x18080] =	vst v63  }
0x9d: {  	_ = 	snop  }
0x9e: {  	[hbm4b:s4+s2] =	stream.indirect_vreg.scatter [tilespmem:s17], [sflag:$0x1], $0x80, v3, vm0, $0xb8;
	[tilespmem:$0x18080] =	vst v63  }
0x9f: {  	_ = 	snop  }
0xa0: {  	[hbm4b:s5+s2] =	stream.indirect_vreg.scatter [tilespmem:s18], [sflag:$0x1], $0x80, v3, vm0, $0xb8;
	[tilespmem:$0x18080] =	vst v63  }
0xa1: {  	v3 =	vld [tilespmem:$0x60];
	_ =	sdelay $0x4  }
0xa2: {  	v62 =	vshrl.u32 v3, $0x3  }
0xa3: {  	v4 =	vmul.u32 $0x30, v62  }
0xa4: {  	v3 =	vand.u32 $0x7, v3  }
0xa5: {  	v3 =	vor.u32 v3, v4  }
0xa6: {  	v4 =	vperm.xlane v3, v0;
	_ =	sdelay $0x1  }
0xa7: {  	v4 =	vadd.s32 v1, v4;
	_ =	sdelay $0x3  }
0xa8: {  	v3 =	vperm.xlane v3, v2  }
0xa9: {  	[hbm4b:s3+s2] =	stream.indirect_vreg.scatter [tilespmem:s19], [sflag:$0x1], $0x80, v4, vm0, $0xb8;
	[tilespmem:$0x18080] =	vst v63  }
0xaa: {  	v3 =	vadd.s32 v1, v3  }
0xab: {  	[hbm4b:s4+s2] =	stream.indirect_vreg.scatter [tilespmem:s20], [sflag:$0x1], $0x80, v4, vm0, $0xb8;
	[tilespmem:$0x18080] =	vst v63  }
0xac: {  	_ = 	snop  }
0xad: {  	[hbm4b:s5+s2] =	stream.indirect_vreg.scatter [tilespmem:s21], [sflag:$0x1], $0x80, v4, vm0, $0xb8;
	[tilespmem:$0x18080] =	vst v63  }
0xae: {  	_ = 	snop  }
0xaf: {  	[hbm4b:s3+s2] =	stream.indirect_vreg.scatter [tilespmem:s22], [sflag:$0x1], $0x80, v3, vm0, $0xb8;
	[tilespmem:$0x18080] =	vst v63  }
0xb0: {  	_ = 	snop  }
0xb1: {  	[hbm4b:s4+s2] =	stream.indirect_vreg.scatter [tilespmem:s23], [sflag:$0x1], $0x80, v3, vm0, $0xb8;
	[tilespmem:$0x18080] =	vst v63  }
0xb2: {  	_ = 	snop  }
0xb3: {  	[hbm4b:s5+s2] =	stream.indirect_vreg.scatter [tilespmem:s24], [sflag:$0x1], $0x80, v3, vm0, $0xb8;
	[tilespmem:$0x18080] =	vst v63  }
0xb4: {  	v3 =	vld [tilespmem:$0x70];
	_ =	sdelay $0x4  }
0xb5: {  	v63 =	vshrl.u32 v3, $0x3  }
0xb6: {  	v4 =	vmul.u32 $0x30, v63  }
0xb7: {  	v3 =	vand.u32 $0x7, v3  }
0xb8: {  	v3 =	vor.u32 v3, v4  }
0xb9: {  	v4 =	vperm.xlane v3, v0;
	_ =	sdelay $0x1  }
0xba: {  	v4 =	vadd.s32 v1, v4;
	_ =	sdelay $0x3  }
0xbb: {  	v3 =	vperm.xlane v3, v2  }
0xbc: {  	[hbm4b:s3+s2] =	stream.indirect_vreg.scatter [tilespmem:s25], [sflag:$0x1], $0x80, v4, vm0, $0xb8;
	[tilespmem:$0x18080] =	vst v63  }
0xbd: {  	v3 =	vadd.s32 v1, v3  }
0xbe: {  	[hbm4b:s4+s2] =	stream.indirect_vreg.scatter [tilespmem:s26], [sflag:$0x1], $0x80, v4, vm0, $0xb8;
	[tilespmem:$0x18080] =	vst v63  }
0xbf: {  	_ = 	snop  }
0xc0: {  	[hbm4b:s5+s2] =	stream.indirect_vreg.scatter [tilespmem:s28], [sflag:$0x1], $0x80, v4, vm0, $0xb8;
	[tilespmem:$0x18080] =	vst v63  }
0xc1: {  	_ = 	snop  }
0xc2: {  	[hbm4b:s3+s2] =	stream.indirect_vreg.scatter [tilespmem:s29], [sflag:$0x1], $0x80, v3, vm0, $0xb8;
	[tilespmem:$0x18080] =	vst v63  }
0xc3: {  	p0 =	sne.s32 s6, $0x1  }
0xc4: {  	[hbm4b:s4+s2] =	stream.indirect_vreg.scatter [tilespmem:s30], [sflag:$0x1], $0x80, v3, vm0, $0xb8;
	[tilespmem:$0x18080] =	vst v63  }
.Ltmp0:
0xc5: {  	_ = 	snop;
	(pc) =	sbr.rel @p0 .LBB2_1-.Ltmp0, $4  }
0xc6: {  	[hbm4b:s5+s2] =	stream.indirect_vreg.scatter [tilespmem:s31], [sflag:$0x1], $0x80, v3, vm0, $0xb8;
	[tilespmem:$0x18080] =	vst v63  }
0xc7: {  	_ =	swait.ge [sflag:s1], $0x18000  }
0xc8: {  	[sflag:s1] =	ssyncset.done $0x0  }
0xc9: {  	s6 =	sadd.s32 $0xFFFFFFFF, s6;
	[sflag:s1] =	ssyncadd.s32 $0xFFFE8000  }
0xca: {  	_ =	sfence.sel $0x180000  }
0xcb: {  	[bflag:$0x0] =	sbarrier.arrive $0xFFFF  }
0xcc: {  	_ =	strace $0x90000047  }
0xcd: {  	s0 =	stileid.u32;
	[bflag:$0x2] =	sbarrier.arrive $0xFFFF  }
0xce: {  	p0 =	sne.s32 s0, $0x0;
	s0 =	rddreg [dreg:$0x3]  }
0xcf: {  	s0 =	sadd.s32 @!p0 $0x100000, s0  }
0xd0: {  	[sflag:s0] =	ssyncadd.tile.s32 @!p0 $0x1;
	_ =	shalt  }
.Lfunc_end2:
_tile_overlayer_lowered:
.L_overlay_start_2:
0xd1: {  	(tag) =	ssettag $0x2  }
0xd2: {  	s0 =	rddreg [dreg:$0x0];
	s2 =	stileid.u32  }
0xd3: {  	s1 =	rddreg [dreg:$0x1];
	p0 =	sne.s32 s2, $0x0  }
0xd4: {  	s3 =	rddreg [dreg:$0x2];
	[bflag:$0x3] =	sbarrier.arrive $0xFFFF;
	s2 =	simm.s32 @!p0 $0x1C02  }
0xd5: {  	[timem:s3], [sflag:s2] =	dma.local @!p0 [hbm:s0], s1  }
0xd6: {  	s0 =	simm.s32 @!p0 $0x2  }
0xd7: {  	_ =	swait.ge @!p0 [sflag:s0], s1  }
0xd8: {  	s1 =	ssub.s32 @!p0 $0x0, s1;
	[sflag:s0] =	ssyncset.done @!p0 $0x0  }
0xd9: {  	[sflag:s0] =	ssyncadd.s32 @!p0 s1  }
0xda: {  	[bflag:$0x3] =	sbarrier.arrive $0xFFFF  }
0xdb: {  	_ =	shalt  }

</sc_bundles>
